<compile_context>
chip_gen: v7x
topology: tpu7x:2x2x1
jax: 0.10.2.dev20260603
libtpu: 0.0.44.dev20260713+nightly
codegen_flags: <defaults>
</compile_context>

<pallas_src>
import dataclasses
import functools

import jax
import jax.numpy as jnp
import numpy as np
from jax import lax
from jax.experimental import pallas as pl
from jax.experimental.pallas import tpu as pltpu
from jax.experimental.pallas import tpu_sc as plsc

N_NODES = 10000
NPAD = 10112
D = 128
DW = D // 2
DH = DW // 2
NC = 2
NS = 16
L = 16
B = 128
RPT = NPAD // NS

_PERM = np.concatenate(
    [32 * k + np.concatenate([np.arange(0, 32, 2), np.arange(1, 32, 2)])
     for k in range(D // 32)])


def _make_aggregate(epad: int):
    nb = epad // (NS * B)
    epb = nb * B

    mesh = plsc.VectorSubcoreMesh(
        core_axis_name="c", subcore_axis_name="s",
        num_cores=NC, num_subcores=NS)

    cp = pltpu.CompilerParams()
    if "needs_layout_passes" in pltpu.CompilerParams.__dataclass_fields__:
        cp = dataclasses.replace(cp, needs_layout_passes=False)
    if "use_tc_tiling_on_sc" in pltpu.CompilerParams.__dataclass_fields__:
        cp = dataclasses.replace(cp, use_tc_tiling_on_sc=False)

    @functools.partial(
        pl.kernel,
        compiler_params=cp,
        out_type=jax.ShapeDtypeStruct((NC, NPAD, D // 2), jnp.float32),
        mesh=mesh,
        scratch_types=[
            pltpu.VMEM((B,), jnp.int32),
            pltpu.VMEM((B,), jnp.int32),
            pltpu.VMEM((1, B), jnp.int32),
            pltpu.VMEM((1, B), jnp.int32),
            pltpu.VMEM((B,), jnp.float32),
            pltpu.VMEM((B,), jnp.float32),
            pltpu.VMEM((B, DH), jnp.int32),
            pltpu.VMEM((B, DH), jnp.int32),
            pltpu.VMEM((B, D // 2), jnp.float32),
            pltpu.VMEM((B, D // 2), jnp.float32),
            pltpu.VMEM_SHARED((NPAD, D // 2), jnp.float32),
            pltpu.VMEM_SHARED((N_NODES, DH), jnp.int32),
            pltpu.SemaphoreType.DMA,
            pltpu.SemaphoreType.DMA,
            pltpu.SemaphoreType.DMA,
            pltpu.SemaphoreType.DMA,
            pltpu.SemaphoreType.DMA,
            pltpu.SemaphoreType.DMA,
            pltpu.SemaphoreType.DMA,
            pltpu.SemaphoreType.DMA,
        ],
    )
    def aggregate(src_hbm, dst_hbm, ew_hbm, x_hbm, out_hbm,
                  srcv0, srcv1, dstv0, dstv1, wv0, wv1, g0, g1, rowsf0,
                  rowsf1, acc, xs, sem, gsem0, gsem1, ssem, wsem0, wsem1,
                  csem0, csem1):
        cid = lax.axis_index("c")
        sid = lax.axis_index("s")
        zero16 = jnp.zeros((L,), jnp.float32)
        base0 = sid * epb

        start = sid * 632
        pltpu.sync_copy(x_hbm.at[cid, pl.ds(start, 520)],
                        xs.at[pl.ds(start, 520)])

        @pl.when(sid < NS - 1)
        def _():
            pltpu.sync_copy(x_hbm.at[cid, pl.ds(start + 520, 112)],
                            xs.at[pl.ds(start + 520, 112)])

        @pl.loop(0, B)
        def _(r):
            @pl.loop(0, D // 2, step=L)
            def _(c):
                rowsf0[r, pl.ds(c, L)] = zero16

        @pl.loop(0, RPT - 120, step=B)
        def _(r0):
            pltpu.sync_copy(rowsf0, acc.at[pl.ds(sid * RPT + r0, B)])
        pltpu.sync_copy(rowsf0.at[pl.ds(0, 120)],
                        acc.at[pl.ds(sid * RPT + RPT - 120, 120)])

        def iload_src(b, srcv):
            pltpu.async_copy(src_hbm.at[pl.ds(base0 + b * B, B)], srcv, ssem)

        def wait_src(b, srcv):
            pltpu.make_async_copy(
                src_hbm.at[pl.ds(base0 + b * B, B)], srcv, ssem).wait()

        def iload_wd(b, wv, dstv, wsem):
            pltpu.async_copy(ew_hbm.at[pl.ds(base0 + b * B, B)], wv, wsem)
            pltpu.async_copy(dst_hbm.at[sid * nb + b], dstv, wsem)

        def wait_wd(b, wv, dstv, wsem):
            pltpu.make_async_copy(
                ew_hbm.at[pl.ds(base0 + b * B, B)], wv, wsem).wait()
            pltpu.make_async_copy(dst_hbm.at[sid * nb + b], dstv, wsem).wait()

        def start_gather(srcv, buf, gsem):
            pltpu.async_copy(xs.at[srcv], buf, gsem)

        def wait_gather(srcv, buf, gsem):
            pltpu.make_async_copy(xs.at[srcv], buf, gsem).wait()

        def process(b, wv, dstv, buf, rowsf, csem):
            @pl.when(b >= 2)
            def _():
                pltpu.make_async_copy(
                    rowsf, acc.at[dstv.at[0]], csem).wait()

            @pl.loop(0, B, unroll=8)
            def _(e):
                wb = plsc.load_gather(wv, [jnp.broadcast_to(e, (L,))])
                wb2 = plsc.pack(wb, wb, format=plsc.PackFormat.INTERLEAVED)
                for k in range(DH // L):
                    w16 = buf[e, pl.ds(k * L, L)]
                    b32 = plsc.bitcast(w16, jnp.bfloat16)
                    p32 = b32 * wb2
                    ev, od = plsc.unpack(
                        p32, format=plsc.PackFormat.INTERLEAVED)
                    rowsf[e, pl.ds(2 * k * L, L)] = ev
                    rowsf[e, pl.ds((2 * k + 1) * L, L)] = od

            pltpu.async_copy(rowsf, acc.at[dstv.at[0]], csem, add=True)


        iload_src(0, srcv0)
        wait_src(0, srcv0)
        iload_src(1, srcv1)
        iload_wd(0, wv0, dstv0, wsem0)
        iload_wd(1, wv1, dstv1, wsem1)
        plsc.subcore_barrier()
        start_gather(srcv0, g0, gsem0)
        wait_src(1, srcv1)
        start_gather(srcv1, g1, gsem1)

        @pl.loop(0, nb, step=2)
        def _(b):
            wait_gather(srcv0, g0, gsem0)

            @pl.when(b + 2 < nb)
            def _():
                iload_src(b + 2, srcv0)

            wait_wd(b, wv0, dstv0, wsem0)
            process(b, wv0, dstv0, g0, rowsf0, csem0)

            @pl.when(b + 2 < nb)
            def _():
                iload_wd(b + 2, wv0, dstv0, wsem0)
                wait_src(b + 2, srcv0)
                start_gather(srcv0, g0, gsem0)

            wait_gather(srcv1, g1, gsem1)

            @pl.when(b + 3 < nb)
            def _():
                iload_src(b + 3, srcv1)

            wait_wd(b + 1, wv1, dstv1, wsem1)
            process(b + 1, wv1, dstv1, g1, rowsf1, csem1)

            @pl.when(b + 3 < nb)
            def _():
                iload_wd(b + 3, wv1, dstv1, wsem1)
                wait_src(b + 3, srcv1)
                start_gather(srcv1, g1, gsem1)

        pltpu.make_async_copy(rowsf0, acc.at[dstv0.at[0]], csem0).wait()
        pltpu.make_async_copy(rowsf1, acc.at[dstv1.at[0]], csem1).wait()
        plsc.subcore_barrier()
        pltpu.sync_copy(acc.at[pl.ds(sid * RPT, RPT)],
                        out_hbm.at[cid, pl.ds(sid * RPT, RPT)])

    return aggregate


def _tc_finish(p_ref, w_ref, b_ref, o_ref):
    s = jnp.concatenate([p_ref[0], p_ref[1]], axis=1)
    y = jnp.dot(s, w_ref[...], preferred_element_type=jnp.float32)
    o_ref[...] = jnp.maximum(y + b_ref[...], 0.0)


def kernel(x, edge_index, edge_weight, weight, bias):
    e = edge_index.shape[1]
    pad = (-e) % (NS * B * 2)
    epad = e + pad
    src = jnp.concatenate([edge_index[0], jnp.zeros((pad,), jnp.int32)])
    dst = jnp.concatenate([edge_index[1], jnp.zeros((pad,), jnp.int32)])
    ew = jnp.concatenate([edge_weight, jnp.zeros((pad,), jnp.float32)])
    dst3d = dst.reshape(epad // B, 1, B)
    xh = lax.bitcast_convert_type(
        x.astype(jnp.bfloat16).reshape(N_NODES, DW, 2), jnp.int32)
    xh = xh.reshape(N_NODES, NC, DH).transpose(1, 0, 2)

    partials = _make_aggregate(epad)(src, dst3d, ew, xh)

    br = 1264
    out = pl.pallas_call(
        _tc_finish,
        grid=(NPAD // br,),
        in_specs=[
            pl.BlockSpec((NC, br, D // 2), lambda i: (0, i, 0)),
            pl.BlockSpec((D, D), lambda i: (0, 0)),
            pl.BlockSpec((1, D), lambda i: (0, 0)),
        ],
        out_specs=pl.BlockSpec((br, D), lambda i: (i, 0)),
        out_shape=jax.ShapeDtypeStruct((NPAD, D), jnp.float32),
    )(partials, weight[_PERM, :], bias.reshape(1, D))
    return out[:N_NODES]

# --- scband reference (transcript-rebuilt; emitter-appended) ---
"""Pipeline reference for scband-graph-conv-37804302139891 (READ-ONLY COPY).

The authoritative reference and input builder live on the scoring server;
editing this copy changes nothing except your own understanding.
"""

import jax, jax.numpy as jnp
import numpy as np

N = 10000
E = 320000
D_IN = 128
D_OUT = 128


def setup_inputs(seed: int = 0) -> dict:
    key = jax.random.key(seed)
    k1, k2, k3, k4 = jax.random.split(key, 4)
    x = jax.random.normal(k1, (N, D_IN), dtype=jnp.float32)
    edge_index = jax.random.randint(k2, (2, E), 0, N, dtype=jnp.int32)
    edge_weight = jax.random.uniform(k3, (E,), dtype=jnp.float32)
    # learned parameters: weight (xavier-normal-ish, gain 0.02) and bias filled with 0.01
    weight = jax.random.normal(k4, (D_IN, D_OUT), dtype=jnp.float32) * (0.02 * np.sqrt(2.0 / (D_IN + D_OUT)))
    bias = jnp.full((D_OUT,), 0.01, dtype=jnp.float32)
    return {"x": x, "edge_index": edge_index, "edge_weight": edge_weight, "weight": weight, "bias": bias}


def reference(x, edge_index, edge_weight, weight, bias):
    # GraphConv forward (eval mode: no dropout, dense inputs, not featureless):
    #   xw = x @ W
    #   out = support @ xw   (support is sparse NxN adjacency, given as edge_index/edge_weight)
    #   out = out + bias
    #   return activation(out)  (activation = relu)
    xw = jnp.matmul(x, weight)
    src = edge_index[0]
    dst = edge_index[1]
    msgs = edge_weight[:, None] * jnp.take(xw, src, axis=0)
    out = jax.ops.segment_sum(msgs, dst, num_segments=N)
    out = out + bias
    return jax.nn.relu(out)

if __name__ == "__main__":
    import jax
    _d = setup_inputs()
    print(jax.jit(kernel)(*tuple(_d.values())))

</pallas_src>

<mosaic_0001>
#map = affine_map<(d0, d1) -> (0)>
#map1 = affine_map<(d0, d1) -> (0, 0, 0)>
module attributes {stable_mosaic.version = 14 : i64} {
  func.func @aggregate(%arg0: i32, %arg1: i32, %arg2: memref<323584xi32, #tpu.memory_space<hbm>>, %arg3: memref<2528x1x128xi32, #tpu.memory_space<hbm>>, %arg4: memref<323584xf32, #tpu.memory_space<hbm>>, %arg5: memref<2x10000x32xi32, #tpu.memory_space<hbm>>, %arg6: memref<2x10112x64xf32, #tpu.memory_space<hbm>>, %arg7: memref<128xi32, #tpu.memory_space<vmem>>, %arg8: memref<128xi32, #tpu.memory_space<vmem>>, %arg9: memref<1x128xi32, #tpu.memory_space<vmem>>, %arg10: memref<1x128xi32, #tpu.memory_space<vmem>>, %arg11: memref<128xf32, #tpu.memory_space<vmem>>, %arg12: memref<128xf32, #tpu.memory_space<vmem>>, %arg13: memref<128x32xi32, #tpu.memory_space<vmem>>, %arg14: memref<128x32xi32, #tpu.memory_space<vmem>>, %arg15: memref<128x64xf32, #tpu.memory_space<vmem>>, %arg16: memref<128x64xf32, #tpu.memory_space<vmem>>, %arg17: memref<10112x64xf32, #tpu.memory_space<vmem_shared>>, %arg18: memref<10000x32xi32, #tpu.memory_space<vmem_shared>>, %arg19: memref<!tpu.dma_semaphore, #tpu.memory_space<semaphore_mem>>, %arg20: memref<!tpu.dma_semaphore, #tpu.memory_space<semaphore_mem>>, %arg21: memref<!tpu.dma_semaphore, #tpu.memory_space<semaphore_mem>>, %arg22: memref<!tpu.dma_semaphore, #tpu.memory_space<semaphore_mem>>, %arg23: memref<!tpu.dma_semaphore, #tpu.memory_space<semaphore_mem>>, %arg24: memref<!tpu.dma_semaphore, #tpu.memory_space<semaphore_mem>>, %arg25: memref<!tpu.dma_semaphore, #tpu.memory_space<semaphore_mem>>, %arg26: memref<!tpu.dma_semaphore, #tpu.memory_space<semaphore_mem>>) attributes {dimension_semantics = [#tpu.dimension_semantics<core_parallel>, #tpu.dimension_semantics<subcore_parallel>], iteration_bounds = array<i64: 2, 16>, scalar_prefetch = 0 : i64, scratch_operands = 20 : i64, tpu.core_type = #tpu.core_type<sc_vector_subcore>, window_params = [{transform_indices = #map}, {transform_indices = #map1}, {transform_indices = #map}, {transform_indices = #map1}, {transform_indices = #map1}]} {
    %broadcast_in_dim3A = arith.constant 0.000000e+00 : f32
    %broadcast_in_dim3A_0 = vector.broadcast %broadcast_in_dim3A : f32 to vector<16xf32>
    %mul3A = arith.constant 20224 : i32
    %mul3A_1 = arith.muli %arg1, %mul3A : i32
    %mul3A_2 = arith.constant 632 : i32
    %mul3A_3 = arith.muli %arg1, %mul3A_2 : i32
    "tpu.region"() ({
      %run_scoped3A = tpu.sem_alloc : memref<!tpu.dma_semaphore, #tpu.memory_space<semaphore_mem>>
      %dma_start3A_95 = arith.constant 0 : i32
      %dma_start3A_96 = tpu.memref_slice %arg18[%mul3A_3, %dma_start3A_95] : memref<10000x32xi32, #tpu.memory_space<vmem_shared>> -> memref<520x32xi32, #tpu.memory_space<vmem_shared>>
      %dma_start3A_97 = arith.constant 0 : i32
      %dma_start3A_98 = tpu.memref_slice %arg5[%arg0, %mul3A_3, %dma_start3A_97] : memref<2x10000x32xi32, #tpu.memory_space<hbm>> -> memref<1x520x32xi32, #tpu.memory_space<hbm>>
      %dma_start3A_99 = tpu.memref_squeeze %dma_start3A_98 : memref<1x520x32xi32, #tpu.memory_space<hbm>> -> memref<520x32xi32, #tpu.memory_space<hbm>>
      tpu.enqueue_dma source(%dma_start3A_99 : memref<520x32xi32, #tpu.memory_space<hbm>>) target(%dma_start3A_96 : memref<520x32xi32, #tpu.memory_space<vmem_shared>>) target_semaphore(%run_scoped3A : memref<!tpu.dma_semaphore, #tpu.memory_space<semaphore_mem>>)
      %dma_wait3A_100 = arith.constant 0 : i32
      %dma_wait3A_101 = tpu.memref_slice %arg18[%mul3A_3, %dma_wait3A_100] : memref<10000x32xi32, #tpu.memory_space<vmem_shared>> -> memref<520x32xi32, #tpu.memory_space<vmem_shared>>
      %dma_wait3A_102 = arith.constant 0 : i32
      %dma_wait3A_103 = tpu.memref_slice %arg5[%arg0, %mul3A_3, %dma_wait3A_102] : memref<2x10000x32xi32, #tpu.memory_space<hbm>> -> memref<1x520x32xi32, #tpu.memory_space<hbm>>
      %dma_wait3A_104 = tpu.memref_squeeze %dma_wait3A_103 : memref<1x520x32xi32, #tpu.memory_space<hbm>> -> memref<520x32xi32, #tpu.memory_space<hbm>>
      tpu.wait_dma2 semaphore(%run_scoped3A : memref<!tpu.dma_semaphore, #tpu.memory_space<semaphore_mem>>) src(%dma_wait3A_104 : memref<520x32xi32, #tpu.memory_space<hbm>>) dst(%dma_wait3A_101 : memref<520x32xi32, #tpu.memory_space<vmem_shared>>)
      tpu.yield
    }) : () -> ()
    %lt3A = arith.constant 15 : i32
    %lt3A_4 = arith.cmpi slt, %arg1, %lt3A : i32
    %convert_element_type3A = arith.extui %lt3A_4 : i1 to i32
    %cond3A = arith.constant 0 : i32
    %cond3A_5 = arith.cmpi ne, %convert_element_type3A, %cond3A : i32
    scf.if %cond3A_5 {
      %add3A_95 = arith.constant 520 : i32
      %add3A_96 = arith.addi %mul3A_3, %add3A_95 : i32
      %add3A_97 = arith.constant 520 : i32
      %add3A_98 = arith.addi %mul3A_3, %add3A_97 : i32
      "tpu.region"() ({
        %run_scoped3A = tpu.sem_alloc : memref<!tpu.dma_semaphore, #tpu.memory_space<semaphore_mem>>
        %dma_start3A_99 = arith.constant 0 : i32
        %dma_start3A_100 = tpu.memref_slice %arg18[%add3A_98, %dma_start3A_99] : memref<10000x32xi32, #tpu.memory_space<vmem_shared>> -> memref<112x32xi32, #tpu.memory_space<vmem_shared>>
        %dma_start3A_101 = arith.constant 0 : i32
        %dma_start3A_102 = tpu.memref_slice %arg5[%arg0, %add3A_96, %dma_start3A_101] : memref<2x10000x32xi32, #tpu.memory_space<hbm>> -> memref<1x112x32xi32, #tpu.memory_space<hbm>>
        %dma_start3A_103 = tpu.memref_squeeze %dma_start3A_102 : memref<1x112x32xi32, #tpu.memory_space<hbm>> -> memref<112x32xi32, #tpu.memory_space<hbm>>
        tpu.enqueue_dma source(%dma_start3A_103 : memref<112x32xi32, #tpu.memory_space<hbm>>) target(%dma_start3A_100 : memref<112x32xi32, #tpu.memory_space<vmem_shared>>) target_semaphore(%run_scoped3A : memref<!tpu.dma_semaphore, #tpu.memory_space<semaphore_mem>>)
        %dma_wait3A_104 = arith.constant 0 : i32
        %dma_wait3A_105 = tpu.memref_slice %arg18[%add3A_98, %dma_wait3A_104] : memref<10000x32xi32, #tpu.memory_space<vmem_shared>> -> memref<112x32xi32, #tpu.memory_space<vmem_shared>>
        %dma_wait3A_106 = arith.constant 0 : i32
        %dma_wait3A_107 = tpu.memref_slice %arg5[%arg0, %add3A_96, %dma_wait3A_106] : memref<2x10000x32xi32, #tpu.memory_space<hbm>> -> memref<1x112x32xi32, #tpu.memory_space<hbm>>
        %dma_wait3A_108 = tpu.memref_squeeze %dma_wait3A_107 : memref<1x112x32xi32, #tpu.memory_space<hbm>> -> memref<112x32xi32, #tpu.memory_space<hbm>>
        tpu.wait_dma2 semaphore(%run_scoped3A : memref<!tpu.dma_semaphore, #tpu.memory_space<semaphore_mem>>) src(%dma_wait3A_108 : memref<112x32xi32, #tpu.memory_space<hbm>>) dst(%dma_wait3A_105 : memref<112x32xi32, #tpu.memory_space<vmem_shared>>)
        tpu.yield
      }) : () -> ()
    } else {
    }
    %scan3A = arith.constant 0 : i32
    %scan3A_6 = arith.constant 128 : i32
    %scan3A_7 = arith.addi %scan3A, %scan3A_6 : i32
    %scan3A_8 = arith.constant 1 : i32
    scf.for %scan3A_95 = %scan3A to %scan3A_7 step %scan3A_8  : i32 {
      %mul3A_96 = arith.constant 1 : i32
      %mul3A_97 = arith.muli %scan3A_95, %mul3A_96 : i32
      %add3A_98 = arith.constant 0 : i32
      %add3A_99 = arith.addi %add3A_98, %mul3A_97 : i32
      %scan3A_100 = arith.constant 0 : i32
      %scan3A_101 = arith.constant 4 : i32
      %scan3A_102 = arith.addi %scan3A_100, %scan3A_101 : i32
      %scan3A_103 = arith.constant 1 : i32
      scf.for %scan3A_105 = %scan3A_100 to %scan3A_102 step %scan3A_103  : i32 {
        %mul3A_106 = arith.constant 16 : i32
        %mul3A_107 = arith.muli %scan3A_105, %mul3A_106 : i32
        %add3A_108 = arith.constant 0 : i32
        %add3A_109 = arith.addi %add3A_108, %mul3A_107 : i32
        %swap3A = arith.index_cast %add3A_99 : i32 to index
        %swap3A_110 = arith.index_cast %add3A_109 : i32 to index
        %swap3A_111 = tpu.vector_load %arg15[%swap3A, %swap3A_110] {strides = array<i32>} : memref<128x64xf32, #tpu.memory_space<vmem>>, vector<16xf32>,
        tpu.vector_store %arg15[%swap3A, %swap3A_110], %broadcast_in_dim3A_0 {strides = array<i32>} : memref<128x64xf32, #tpu.memory_space<vmem>>, vector<16xf32>,
      }
      %scan3A_104 = arith.constant 4 : i32
    }
    %scan3A_9 = arith.constant 128 : i32
    %scan3A_10 = arith.constant 0 : i32
    %scan3A_11 = arith.constant 4 : i32
    %scan3A_12 = arith.addi %scan3A_10, %scan3A_11 : i32
    %scan3A_13 = arith.constant 1 : i32
    scf.for %scan3A_95 = %scan3A_10 to %scan3A_12 step %scan3A_13  : i32 {
      %mul3A_96 = arith.constant 128 : i32
      %mul3A_97 = arith.muli %scan3A_95, %mul3A_96 : i32
      %add3A_98 = arith.constant 0 : i32
      %add3A_99 = arith.addi %add3A_98, %mul3A_97 : i32
      %mul3A_100 = arith.constant 632 : i32
      %mul3A_101 = arith.muli %arg1, %mul3A_100 : i32
      %add3A_102 = arith.addi %mul3A_101, %add3A_99 : i32
      "tpu.region"() ({
        %run_scoped3A = tpu.sem_alloc : memref<!tpu.dma_semaphore, #tpu.memory_space<semaphore_mem>>
        %dma_start3A_103 = arith.constant 0 : i32
        %dma_start3A_104 = tpu.memref_slice %arg17[%add3A_102, %dma_start3A_103] : memref<10112x64xf32, #tpu.memory_space<vmem_shared>> -> memref<128x64xf32, #tpu.memory_space<vmem_shared>>
        %dma_start3A_105 = arith.constant 0 : i32
        %dma_start3A_106 = tpu.memref_slice %arg17[%add3A_102, %dma_start3A_105] : memref<10112x64xf32, #tpu.memory_space<vmem_shared>> -> memref<128x64xf32, #tpu.memory_space<vmem_shared>>
        tpu.enqueue_dma source(%arg15 : memref<128x64xf32, #tpu.memory_space<vmem>>) target(%dma_start3A_106 : memref<128x64xf32, #tpu.memory_space<vmem_shared>>) target_semaphore(%run_scoped3A : memref<!tpu.dma_semaphore, #tpu.memory_space<semaphore_mem>>)
        %dma_wait3A_107 = arith.constant 0 : i32
        %dma_wait3A_108 = tpu.memref_slice %arg17[%add3A_102, %dma_wait3A_107] : memref<10112x64xf32, #tpu.memory_space<vmem_shared>> -> memref<128x64xf32, #tpu.memory_space<vmem_shared>>
        %dma_wait3A_109 = arith.constant 0 : i32
        %dma_wait3A_110 = tpu.memref_slice %arg17[%add3A_102, %dma_wait3A_109] : memref<10112x64xf32, #tpu.memory_space<vmem_shared>> -> memref<128x64xf32, #tpu.memory_space<vmem_shared>>
        tpu.wait_dma2 semaphore(%run_scoped3A : memref<!tpu.dma_semaphore, #tpu.memory_space<semaphore_mem>>) src(%arg15 : memref<128x64xf32, #tpu.memory_space<vmem>>) dst(%dma_wait3A_110 : memref<128x64xf32, #tpu.memory_space<vmem_shared>>)
        tpu.yield
      }) : () -> ()
    }
    %scan3A_14 = arith.constant 4 : i32
    %mul3A_15 = arith.constant 632 : i32
    %mul3A_16 = arith.muli %arg1, %mul3A_15 : i32
    %add3A = arith.constant 632 : i32
    %add3A_17 = arith.addi %mul3A_16, %add3A : i32
    %sub3A = arith.constant 120 : i32
    %sub3A_18 = arith.subi %add3A_17, %sub3A : i32
    "tpu.region"() ({
      %run_scoped3A = tpu.sem_alloc : memref<!tpu.dma_semaphore, #tpu.memory_space<semaphore_mem>>
      %dma_start3A_95 = arith.constant 0 : i32
      %dma_start3A_96 = arith.constant 0 : i32
      %dma_start3A_97 = tpu.memref_slice %arg15[%dma_start3A_95, %dma_start3A_96] : memref<128x64xf32, #tpu.memory_space<vmem>> -> memref<120x64xf32, #tpu.memory_space<vmem>>
      %dma_start3A_98 = arith.constant 0 : i32
      %dma_start3A_99 = tpu.memref_slice %arg17[%sub3A_18, %dma_start3A_98] : memref<10112x64xf32, #tpu.memory_space<vmem_shared>> -> memref<120x64xf32, #tpu.memory_space<vmem_shared>>
      %dma_start3A_100 = arith.constant 0 : i32
      %dma_start3A_101 = tpu.memref_slice %arg17[%sub3A_18, %dma_start3A_100] : memref<10112x64xf32, #tpu.memory_space<vmem_shared>> -> memref<120x64xf32, #tpu.memory_space<vmem_shared>>
      %dma_start3A_102 = arith.constant 0 : i32
      %dma_start3A_103 = arith.constant 0 : i32
      %dma_start3A_104 = tpu.memref_slice %arg15[%dma_start3A_102, %dma_start3A_103] : memref<128x64xf32, #tpu.memory_space<vmem>> -> memref<120x64xf32, #tpu.memory_space<vmem>>
      tpu.enqueue_dma source(%dma_start3A_104 : memref<120x64xf32, #tpu.memory_space<vmem>>) target(%dma_start3A_101 : memref<120x64xf32, #tpu.memory_space<vmem_shared>>) target_semaphore(%run_scoped3A : memref<!tpu.dma_semaphore, #tpu.memory_space<semaphore_mem>>)
      %dma_wait3A_105 = arith.constant 0 : i32
      %dma_wait3A_106 = arith.constant 0 : i32
      %dma_wait3A_107 = tpu.memref_slice %arg15[%dma_wait3A_105, %dma_wait3A_106] : memref<128x64xf32, #tpu.memory_space<vmem>> -> memref<120x64xf32, #tpu.memory_space<vmem>>
      %dma_wait3A_108 = arith.constant 0 : i32
      %dma_wait3A_109 = tpu.memref_slice %arg17[%sub3A_18, %dma_wait3A_108] : memref<10112x64xf32, #tpu.memory_space<vmem_shared>> -> memref<120x64xf32, #tpu.memory_space<vmem_shared>>
      %dma_wait3A_110 = arith.constant 0 : i32
      %dma_wait3A_111 = tpu.memref_slice %arg17[%sub3A_18, %dma_wait3A_110] : memref<10112x64xf32, #tpu.memory_space<vmem_shared>> -> memref<120x64xf32, #tpu.memory_space<vmem_shared>>
      %dma_wait3A_112 = arith.constant 0 : i32
      %dma_wait3A_113 = arith.constant 0 : i32
      %dma_wait3A_114 = tpu.memref_slice %arg15[%dma_wait3A_112, %dma_wait3A_113] : memref<128x64xf32, #tpu.memory_space<vmem>> -> memref<120x64xf32, #tpu.memory_space<vmem>>
      tpu.wait_dma2 semaphore(%run_scoped3A : memref<!tpu.dma_semaphore, #tpu.memory_space<semaphore_mem>>) src(%dma_wait3A_114 : memref<120x64xf32, #tpu.memory_space<vmem>>) dst(%dma_wait3A_111 : memref<120x64xf32, #tpu.memory_space<vmem_shared>>)
      tpu.yield
    }) : () -> ()
    %add3A_19 = arith.constant 0 : i32
    %add3A_20 = arith.addi %mul3A_1, %add3A_19 : i32
    %dma_start3A = tpu.memref_slice %arg2[%add3A_20] : memref<323584xi32, #tpu.memory_space<hbm>> -> memref<128xi32, #tpu.memory_space<hbm>>
    %dma_start3A_21 = tpu.memref_slice %arg2[%add3A_20] : memref<323584xi32, #tpu.memory_space<hbm>> -> memref<128xi32, #tpu.memory_space<hbm>>
    tpu.enqueue_dma source(%dma_start3A_21 : memref<128xi32, #tpu.memory_space<hbm>>) target(%arg7 : memref<128xi32, #tpu.memory_space<vmem>>) target_semaphore(%arg22 : memref<!tpu.dma_semaphore, #tpu.memory_space<semaphore_mem>>)
    %add3A_22 = arith.constant 0 : i32
    %add3A_23 = arith.addi %mul3A_1, %add3A_22 : i32
    %dma_wait3A = tpu.memref_slice %arg2[%add3A_23] : memref<323584xi32, #tpu.memory_space<hbm>> -> memref<128xi32, #tpu.memory_space<hbm>>
    %dma_wait3A_24 = tpu.memref_slice %arg2[%add3A_23] : memref<323584xi32, #tpu.memory_space<hbm>> -> memref<128xi32, #tpu.memory_space<hbm>>
    tpu.wait_dma2 semaphore(%arg22 : memref<!tpu.dma_semaphore, #tpu.memory_space<semaphore_mem>>) src(%dma_wait3A_24 : memref<128xi32, #tpu.memory_space<hbm>>) dst(%arg7 : memref<128xi32, #tpu.memory_space<vmem>>)
    %add3A_25 = arith.constant 128 : i32
    %add3A_26 = arith.addi %mul3A_1, %add3A_25 : i32
    %dma_start3A_27 = tpu.memref_slice %arg2[%add3A_26] : memref<323584xi32, #tpu.memory_space<hbm>> -> memref<128xi32, #tpu.memory_space<hbm>>
    %dma_start3A_28 = tpu.memref_slice %arg2[%add3A_26] : memref<323584xi32, #tpu.memory_space<hbm>> -> memref<128xi32, #tpu.memory_space<hbm>>
    tpu.enqueue_dma source(%dma_start3A_28 : memref<128xi32, #tpu.memory_space<hbm>>) target(%arg8 : memref<128xi32, #tpu.memory_space<vmem>>) target_semaphore(%arg22 : memref<!tpu.dma_semaphore, #tpu.memory_space<semaphore_mem>>)
    %add3A_29 = arith.constant 0 : i32
    %add3A_30 = arith.addi %mul3A_1, %add3A_29 : i32
    %dma_start3A_31 = tpu.memref_slice %arg4[%add3A_30] : memref<323584xf32, #tpu.memory_space<hbm>> -> memref<128xf32, #tpu.memory_space<hbm>>
    %dma_start3A_32 = tpu.memref_slice %arg4[%add3A_30] : memref<323584xf32, #tpu.memory_space<hbm>> -> memref<128xf32, #tpu.memory_space<hbm>>
    tpu.enqueue_dma source(%dma_start3A_32 : memref<128xf32, #tpu.memory_space<hbm>>) target(%arg11 : memref<128xf32, #tpu.memory_space<vmem>>) target_semaphore(%arg23 : memref<!tpu.dma_semaphore, #tpu.memory_space<semaphore_mem>>)
    %mul3A_33 = arith.constant 158 : i32
    %mul3A_34 = arith.muli %arg1, %mul3A_33 : i32
    %add3A_35 = arith.constant 0 : i32
    %add3A_36 = arith.addi %mul3A_34, %add3A_35 : i32
    %dma_start3A_37 = arith.constant 0 : i32
    %dma_start3A_38 = arith.constant 0 : i32
    %dma_start3A_39 = tpu.memref_slice %arg3[%add3A_36, %dma_start3A_37, %dma_start3A_38] : memref<2528x1x128xi32, #tpu.memory_space<hbm>> -> memref<1x1x128xi32, #tpu.memory_space<hbm>>
    %dma_start3A_40 = tpu.memref_squeeze %dma_start3A_39 : memref<1x1x128xi32, #tpu.memory_space<hbm>> -> memref<1x128xi32, #tpu.memory_space<hbm>>
    %dma_start3A_41 = arith.constant 0 : i32
    %dma_start3A_42 = arith.constant 0 : i32
    %dma_start3A_43 = tpu.memref_slice %arg3[%add3A_36, %dma_start3A_41, %dma_start3A_42] : memref<2528x1x128xi32, #tpu.memory_space<hbm>> -> memref<1x1x128xi32, #tpu.memory_space<hbm>>
    %dma_start3A_44 = tpu.memref_squeeze %dma_start3A_43 : memref<1x1x128xi32, #tpu.memory_space<hbm>> -> memref<1x128xi32, #tpu.memory_space<hbm>>
    tpu.enqueue_dma source(%dma_start3A_44 : memref<1x128xi32, #tpu.memory_space<hbm>>) target(%arg9 : memref<1x128xi32, #tpu.memory_space<vmem>>) target_semaphore(%arg23 : memref<!tpu.dma_semaphore, #tpu.memory_space<semaphore_mem>>)
    %add3A_45 = arith.constant 128 : i32
    %add3A_46 = arith.addi %mul3A_1, %add3A_45 : i32
    %dma_start3A_47 = tpu.memref_slice %arg4[%add3A_46] : memref<323584xf32, #tpu.memory_space<hbm>> -> memref<128xf32, #tpu.memory_space<hbm>>
    %dma_start3A_48 = tpu.memref_slice %arg4[%add3A_46] : memref<323584xf32, #tpu.memory_space<hbm>> -> memref<128xf32, #tpu.memory_space<hbm>>
    tpu.enqueue_dma source(%dma_start3A_48 : memref<128xf32, #tpu.memory_space<hbm>>) target(%arg12 : memref<128xf32, #tpu.memory_space<vmem>>) target_semaphore(%arg24 : memref<!tpu.dma_semaphore, #tpu.memory_space<semaphore_mem>>)
    %mul3A_49 = arith.constant 158 : i32
    %mul3A_50 = arith.muli %arg1, %mul3A_49 : i32
    %add3A_51 = arith.constant 1 : i32
    %add3A_52 = arith.addi %mul3A_50, %add3A_51 : i32
    %dma_start3A_53 = arith.constant 0 : i32
    %dma_start3A_54 = arith.constant 0 : i32
    %dma_start3A_55 = tpu.memref_slice %arg3[%add3A_52, %dma_start3A_53, %dma_start3A_54] : memref<2528x1x128xi32, #tpu.memory_space<hbm>> -> memref<1x1x128xi32, #tpu.memory_space<hbm>>
    %dma_start3A_56 = tpu.memref_squeeze %dma_start3A_55 : memref<1x1x128xi32, #tpu.memory_space<hbm>> -> memref<1x128xi32, #tpu.memory_space<hbm>>
    %dma_start3A_57 = arith.constant 0 : i32
    %dma_start3A_58 = arith.constant 0 : i32
    %dma_start3A_59 = tpu.memref_slice %arg3[%add3A_52, %dma_start3A_57, %dma_start3A_58] : memref<2528x1x128xi32, #tpu.memory_space<hbm>> -> memref<1x1x128xi32, #tpu.memory_space<hbm>>
    %dma_start3A_60 = tpu.memref_squeeze %dma_start3A_59 : memref<1x1x128xi32, #tpu.memory_space<hbm>> -> memref<1x128xi32, #tpu.memory_space<hbm>>
    tpu.enqueue_dma source(%dma_start3A_60 : memref<1x128xi32, #tpu.memory_space<hbm>>) target(%arg10 : memref<1x128xi32, #tpu.memory_space<vmem>>) target_semaphore(%arg24 : memref<!tpu.dma_semaphore, #tpu.memory_space<semaphore_mem>>)
    %barrier3A = arith.constant 0 : index
    tpu.barrier barrier_id(%barrier3A)
    %dma_start3A_61 = arith.constant 0 : i32
    %dma_start3A_62 = arith.constant 0 : i32
    %dma_start3A_63 = tpu.memref_slice %arg18[%dma_start3A_61, %dma_start3A_62] : memref<10000x32xi32, #tpu.memory_space<vmem_shared>> -> memref<10000x32xi32, #tpu.memory_space<vmem_shared>>
    tpu.enqueue_indirect_dma source(%dma_start3A_63 : memref<10000x32xi32, #tpu.memory_space<vmem_shared>>) target(%arg13 : memref<128x32xi32, #tpu.memory_space<vmem>>) offsets(%arg7 : memref<128xi32, #tpu.memory_space<vmem>>) semaphore(%arg20 : memref<!tpu.dma_semaphore, #tpu.memory_space<semaphore_mem>>)
    %add3A_64 = arith.constant 128 : i32
    %add3A_65 = arith.addi %mul3A_1, %add3A_64 : i32
    %dma_wait3A_66 = tpu.memref_slice %arg2[%add3A_65] : memref<323584xi32, #tpu.memory_space<hbm>> -> memref<128xi32, #tpu.memory_space<hbm>>
    %dma_wait3A_67 = tpu.memref_slice %arg2[%add3A_65] : memref<323584xi32, #tpu.memory_space<hbm>> -> memref<128xi32, #tpu.memory_space<hbm>>
    tpu.wait_dma2 semaphore(%arg22 : memref<!tpu.dma_semaphore, #tpu.memory_space<semaphore_mem>>) src(%dma_wait3A_67 : memref<128xi32, #tpu.memory_space<hbm>>) dst(%arg8 : memref<128xi32, #tpu.memory_space<vmem>>)
    %dma_start3A_68 = arith.constant 0 : i32
    %dma_start3A_69 = arith.constant 0 : i32
    %dma_start3A_70 = tpu.memref_slice %arg18[%dma_start3A_68, %dma_start3A_69] : memref<10000x32xi32, #tpu.memory_space<vmem_shared>> -> memref<10000x32xi32, #tpu.memory_space<vmem_shared>>
    tpu.enqueue_indirect_dma source(%dma_start3A_70 : memref<10000x32xi32, #tpu.memory_space<vmem_shared>>) target(%arg14 : memref<128x32xi32, #tpu.memory_space<vmem>>) offsets(%arg8 : memref<128xi32, #tpu.memory_space<vmem>>) semaphore(%arg21 : memref<!tpu.dma_semaphore, #tpu.memory_space<semaphore_mem>>)
    %scan3A_71 = arith.constant 0 : i32
    %scan3A_72 = arith.constant 79 : i32
    %scan3A_73 = arith.addi %scan3A_71, %scan3A_72 : i32
    %scan3A_74 = arith.constant 1 : i32
    scf.for %scan3A_95 = %scan3A_71 to %scan3A_73 step %scan3A_74  : i32 {
      %mul3A_96 = arith.constant 2 : i32
      %mul3A_97 = arith.muli %scan3A_95, %mul3A_96 : i32
      %add3A_98 = arith.constant 0 : i32
      %add3A_99 = arith.addi %add3A_98, %mul3A_97 : i32
      %dma_wait3A_100 = arith.constant 0 : i32
      %dma_wait3A_101 = arith.constant 0 : i32
      %dma_wait3A_102 = tpu.memref_slice %arg18[%dma_wait3A_100, %dma_wait3A_101] : memref<10000x32xi32, #tpu.memory_space<vmem_shared>> -> memref<10000x32xi32, #tpu.memory_space<vmem_shared>>
      tpu.wait_indirect_dma semaphore(%arg20 : memref<!tpu.dma_semaphore, #tpu.memory_space<semaphore_mem>>) src(%dma_wait3A_102 : memref<10000x32xi32, #tpu.memory_space<vmem_shared>>) dst(%arg13 : memref<128x32xi32, #tpu.memory_space<vmem>>)
      %add3A_103 = arith.constant 2 : i32
      %add3A_104 = arith.addi %add3A_99, %add3A_103 : i32
      %lt3A_105 = arith.constant 158 : i32
      %lt3A_106 = arith.cmpi slt, %add3A_104, %lt3A_105 : i32
      %convert_element_type3A_107 = arith.extui %lt3A_106 : i1 to i32
      %cond3A_108 = arith.constant 0 : i32
      %cond3A_109 = arith.cmpi ne, %convert_element_type3A_107, %cond3A_108 : i32
      scf.if %cond3A_109 {
        %add3A_203 = arith.constant 2 : i32
        %add3A_204 = arith.addi %add3A_99, %add3A_203 : i32
        %mul3A_205 = arith.constant 128 : i32
        %mul3A_206 = arith.muli %add3A_204, %mul3A_205 : i32
        %add3A_207 = arith.addi %mul3A_1, %mul3A_206 : i32
        %dma_start3A_208 = tpu.memref_slice %arg2[%add3A_207] : memref<323584xi32, #tpu.memory_space<hbm>> -> memref<128xi32, #tpu.memory_space<hbm>>
        %dma_start3A_209 = tpu.memref_slice %arg2[%add3A_207] : memref<323584xi32, #tpu.memory_space<hbm>> -> memref<128xi32, #tpu.memory_space<hbm>>
        tpu.enqueue_dma source(%dma_start3A_209 : memref<128xi32, #tpu.memory_space<hbm>>) target(%arg7 : memref<128xi32, #tpu.memory_space<vmem>>) target_semaphore(%arg22 : memref<!tpu.dma_semaphore, #tpu.memory_space<semaphore_mem>>)
      } else {
      }
      %mul3A_110 = arith.constant 128 : i32
      %mul3A_111 = arith.muli %add3A_99, %mul3A_110 : i32
      %add3A_112 = arith.addi %mul3A_1, %mul3A_111 : i32
      %dma_wait3A_113 = tpu.memref_slice %arg4[%add3A_112] : memref<323584xf32, #tpu.memory_space<hbm>> -> memref<128xf32, #tpu.memory_space<hbm>>
      %dma_wait3A_114 = tpu.memref_slice %arg4[%add3A_112] : memref<323584xf32, #tpu.memory_space<hbm>> -> memref<128xf32, #tpu.memory_space<hbm>>
      tpu.wait_dma2 semaphore(%arg23 : memref<!tpu.dma_semaphore, #tpu.memory_space<semaphore_mem>>) src(%dma_wait3A_114 : memref<128xf32, #tpu.memory_space<hbm>>) dst(%arg11 : memref<128xf32, #tpu.memory_space<vmem>>)
      %mul3A_115 = arith.constant 158 : i32
      %mul3A_116 = arith.muli %arg1, %mul3A_115 : i32
      %add3A_117 = arith.addi %mul3A_116, %add3A_99 : i32
      %dma_wait3A_118 = arith.constant 0 : i32
      %dma_wait3A_119 = arith.constant 0 : i32
      %dma_wait3A_120 = tpu.memref_slice %arg3[%add3A_117, %dma_wait3A_118, %dma_wait3A_119] : memref<2528x1x128xi32, #tpu.memory_space<hbm>> -> memref<1x1x128xi32, #tpu.memory_space<hbm>>
      %dma_wait3A_121 = tpu.memref_squeeze %dma_wait3A_120 : memref<1x1x128xi32, #tpu.memory_space<hbm>> -> memref<1x128xi32, #tpu.memory_space<hbm>>
      %dma_wait3A_122 = arith.constant 0 : i32
      %dma_wait3A_123 = arith.constant 0 : i32
      %dma_wait3A_124 = tpu.memref_slice %arg3[%add3A_117, %dma_wait3A_122, %dma_wait3A_123] : memref<2528x1x128xi32, #tpu.memory_space<hbm>> -> memref<1x1x128xi32, #tpu.memory_space<hbm>>
      %dma_wait3A_125 = tpu.memref_squeeze %dma_wait3A_124 : memref<1x1x128xi32, #tpu.memory_space<hbm>> -> memref<1x128xi32, #tpu.memory_space<hbm>>
      tpu.wait_dma2 semaphore(%arg23 : memref<!tpu.dma_semaphore, #tpu.memory_space<semaphore_mem>>) src(%dma_wait3A_125 : memref<1x128xi32, #tpu.memory_space<hbm>>) dst(%arg9 : memref<1x128xi32, #tpu.memory_space<vmem>>)
      %ge3A = arith.constant 2 : i32
      %ge3A_126 = arith.cmpi sge, %add3A_99, %ge3A : i32
      %convert_element_type3A_127 = arith.extui %ge3A_126 : i1 to i32
      %cond3A_128 = arith.constant 0 : i32
      %cond3A_129 = arith.cmpi ne, %convert_element_type3A_127, %cond3A_128 : i32
      scf.if %cond3A_129 {
        %dma_wait3A_203 = arith.constant 0 : i32
        %dma_wait3A_204 = arith.constant 0 : i32
        %dma_wait3A_205 = tpu.memref_slice %arg9[%dma_wait3A_203, %dma_wait3A_204] : memref<1x128xi32, #tpu.memory_space<vmem>> -> memref<1x128xi32, #tpu.memory_space<vmem>>
        %dma_wait3A_206 = tpu.memref_squeeze %dma_wait3A_205 : memref<1x128xi32, #tpu.memory_space<vmem>> -> memref<128xi32, #tpu.memory_space<vmem>>
        %dma_wait3A_207 = arith.constant 0 : i32
        %dma_wait3A_208 = arith.constant 0 : i32
        %dma_wait3A_209 = tpu.memref_slice %arg17[%dma_wait3A_207, %dma_wait3A_208] : memref<10112x64xf32, #tpu.memory_space<vmem_shared>> -> memref<10112x64xf32, #tpu.memory_space<vmem_shared>>
        tpu.wait_indirect_dma semaphore(%arg25 : memref<!tpu.dma_semaphore, #tpu.memory_space<semaphore_mem>>) src(%arg15 : memref<128x64xf32, #tpu.memory_space<vmem>>) dst(%dma_wait3A_209 : memref<10112x64xf32, #tpu.memory_space<vmem_shared>>)
      } else {
      }
      %scan3A_130 = arith.constant 0 : i32
      %scan3A_131 = arith.constant 128 : i32
      %scan3A_132 = arith.addi %scan3A_130, %scan3A_131 : i32
      %scan3A_133 = arith.constant 8 : i32
      scf.for %scan3A_203 = %scan3A_130 to %scan3A_132 step %scan3A_133  : i32 {
        %mul3A_204 = arith.constant 1 : i32
        %mul3A_205 = arith.muli %scan3A_203, %mul3A_204 : i32
        %add3A_206 = arith.constant 0 : i32
        %add3A_207 = arith.addi %add3A_206, %mul3A_205 : i32
        %broadcast_in_dim3A_208 = vector.broadcast %add3A_207 : i32 to vector<16xi32>
        %gather3A = tpu.vector_load_idx %arg11[%broadcast_in_dim3A_208] : memref<128xf32, #tpu.memory_space<vmem>>[vector<16xi32>], vector<16xf32>,
        %pack3A = tpu.pack_subelements %gather3A, %gather3A {pack_format = #tpu.pack_format<interleaved>, positions = array<i32: 0, 1>} : vector<16xf32>, vector<16xf32> -> vector<32xbf16>
        %get3A = arith.index_cast %add3A_207 : i32 to index
        %get3A_209 = arith.constant 0 : index
        %get3A_210 = tpu.vector_load %arg13[%get3A, %get3A_209] {strides = array<i32>} : memref<128x32xi32, #tpu.memory_space<vmem>>, vector<16xi32>,
        %bitcast3A = vector.bitcast %get3A_210 : vector<16xi32> to vector<32xbf16>
        %mul3A_211 = arith.mulf %bitcast3A, %pack3A : vector<32xbf16>
        %unpack3A = tpu.unpack_subelements %mul3A_211, 0 {pack_format = #tpu.pack_format<interleaved>} : vector<32xbf16> -> vector<16xf32>
        %unpack3A_212 = tpu.unpack_subelements %mul3A_211, 1 {pack_format = #tpu.pack_format<interleaved>} : vector<32xbf16> -> vector<16xf32>
        %swap3A = arith.index_cast %add3A_207 : i32 to index
        %swap3A_213 = arith.constant 0 : index
        %swap3A_214 = tpu.vector_load %arg15[%swap3A, %swap3A_213] {strides = array<i32>} : memref<128x64xf32, #tpu.memory_space<vmem>>, vector<16xf32>,
        tpu.vector_store %arg15[%swap3A, %swap3A_213], %unpack3A {strides = array<i32>} : memref<128x64xf32, #tpu.memory_space<vmem>>, vector<16xf32>,
        %swap3A_215 = arith.index_cast %add3A_207 : i32 to index
        %swap3A_216 = arith.constant 16 : index
        %swap3A_217 = tpu.vector_load %arg15[%swap3A_215, %swap3A_216] {strides = array<i32>} : memref<128x64xf32, #tpu.memory_space<vmem>>, vector<16xf32>,
        tpu.vector_store %arg15[%swap3A_215, %swap3A_216], %unpack3A_212 {strides = array<i32>} : memref<128x64xf32, #tpu.memory_space<vmem>>, vector<16xf32>,
        %get3A_218 = arith.index_cast %add3A_207 : i32 to index
        %get3A_219 = arith.constant 16 : index
        %get3A_220 = tpu.vector_load %arg13[%get3A_218, %get3A_219] {strides = array<i32>} : memref<128x32xi32, #tpu.memory_space<vmem>>, vector<16xi32>,
        %bitcast3A_221 = vector.bitcast %get3A_220 : vector<16xi32> to vector<32xbf16>
        %mul3A_222 = arith.mulf %bitcast3A_221, %pack3A : vector<32xbf16>
        %unpack3A_223 = tpu.unpack_subelements %mul3A_222, 0 {pack_format = #tpu.pack_format<interleaved>} : vector<32xbf16> -> vector<16xf32>
        %unpack3A_224 = tpu.unpack_subelements %mul3A_222, 1 {pack_format = #tpu.pack_format<interleaved>} : vector<32xbf16> -> vector<16xf32>
        %swap3A_225 = arith.index_cast %add3A_207 : i32 to index
        %swap3A_226 = arith.constant 32 : index
        %swap3A_227 = tpu.vector_load %arg15[%swap3A_225, %swap3A_226] {strides = array<i32>} : memref<128x64xf32, #tpu.memory_space<vmem>>, vector<16xf32>,
        tpu.vector_store %arg15[%swap3A_225, %swap3A_226], %unpack3A_223 {strides = array<i32>} : memref<128x64xf32, #tpu.memory_space<vmem>>, vector<16xf32>,
        %swap3A_228 = arith.index_cast %add3A_207 : i32 to index
        %swap3A_229 = arith.constant 48 : index
        %swap3A_230 = tpu.vector_load %arg15[%swap3A_228, %swap3A_229] {strides = array<i32>} : memref<128x64xf32, #tpu.memory_space<vmem>>, vector<16xf32>,
        tpu.vector_store %arg15[%swap3A_228, %swap3A_229], %unpack3A_224 {strides = array<i32>} : memref<128x64xf32, #tpu.memory_space<vmem>>, vector<16xf32>,
        %scan3A_231 = arith.constant 1 : i32
        %scan3A_232 = arith.addi %scan3A_203, %scan3A_231 : i32
        %mul3A_233 = arith.constant 1 : i32
        %mul3A_234 = arith.muli %scan3A_232, %mul3A_233 : i32
        %add3A_235 = arith.constant 0 : i32
        %add3A_236 = arith.addi %add3A_235, %mul3A_234 : i32
        %broadcast_in_dim3A_237 = vector.broadcast %add3A_236 : i32 to vector<16xi32>
        %gather3A_238 = tpu.vector_load_idx %arg11[%broadcast_in_dim3A_237] : memref<128xf32, #tpu.memory_space<vmem>>[vector<16xi32>], vector<16xf32>,
        %pack3A_239 = tpu.pack_subelements %gather3A_238, %gather3A_238 {pack_format = #tpu.pack_format<interleaved>, positions = array<i32: 0, 1>} : vector<16xf32>, vector<16xf32> -> vector<32xbf16>
        %get3A_240 = arith.index_cast %add3A_236 : i32 to index
        %get3A_241 = arith.constant 0 : index
        %get3A_242 = tpu.vector_load %arg13[%get3A_240, %get3A_241] {strides = array<i32>} : memref<128x32xi32, #tpu.memory_space<vmem>>, vector<16xi32>,
        %bitcast3A_243 = vector.bitcast %get3A_242 : vector<16xi32> to vector<32xbf16>
        %mul3A_244 = arith.mulf %bitcast3A_243, %pack3A_239 : vector<32xbf16>
        %unpack3A_245 = tpu.unpack_subelements %mul3A_244, 0 {pack_format = #tpu.pack_format<interleaved>} : vector<32xbf16> -> vector<16xf32>
        %unpack3A_246 = tpu.unpack_subelements %mul3A_244, 1 {pack_format = #tpu.pack_format<interleaved>} : vector<32xbf16> -> vector<16xf32>
        %swap3A_247 = arith.index_cast %add3A_236 : i32 to index
        %swap3A_248 = arith.constant 0 : index
        %swap3A_249 = tpu.vector_load %arg15[%swap3A_247, %swap3A_248] {strides = array<i32>} : memref<128x64xf32, #tpu.memory_space<vmem>>, vector<16xf32>,
        tpu.vector_store %arg15[%swap3A_247, %swap3A_248], %unpack3A_245 {strides = array<i32>} : memref<128x64xf32, #tpu.memory_space<vmem>>, vector<16xf32>,
        %swap3A_250 = arith.index_cast %add3A_236 : i32 to index
        %swap3A_251 = arith.constant 16 : index
        %swap3A_252 = tpu.vector_load %arg15[%swap3A_250, %swap3A_251] {strides = array<i32>} : memref<128x64xf32, #tpu.memory_space<vmem>>, vector<16xf32>,
        tpu.vector_store %arg15[%swap3A_250, %swap3A_251], %unpack3A_246 {strides = array<i32>} : memref<128x64xf32, #tpu.memory_space<vmem>>, vector<16xf32>,
        %get3A_253 = arith.index_cast %add3A_236 : i32 to index
        %get3A_254 = arith.constant 16 : index
        %get3A_255 = tpu.vector_load %arg13[%get3A_253, %get3A_254] {strides = array<i32>} : memref<128x32xi32, #tpu.memory_space<vmem>>, vector<16xi32>,
        %bitcast3A_256 = vector.bitcast %get3A_255 : vector<16xi32> to vector<32xbf16>
        %mul3A_257 = arith.mulf %bitcast3A_256, %pack3A_239 : vector<32xbf16>
        %unpack3A_258 = tpu.unpack_subelements %mul3A_257, 0 {pack_format = #tpu.pack_format<interleaved>} : vector<32xbf16> -> vector<16xf32>
        %unpack3A_259 = tpu.unpack_subelements %mul3A_257, 1 {pack_format = #tpu.pack_format<interleaved>} : vector<32xbf16> -> vector<16xf32>
        %swap3A_260 = arith.index_cast %add3A_236 : i32 to index
        %swap3A_261 = arith.constant 32 : index
        %swap3A_262 = tpu.vector_load %arg15[%swap3A_260, %swap3A_261] {strides = array<i32>} : memref<128x64xf32, #tpu.memory_space<vmem>>, vector<16xf32>,
        tpu.vector_store %arg15[%swap3A_260, %swap3A_261], %unpack3A_258 {strides = array<i32>} : memref<128x64xf32, #tpu.memory_space<vmem>>, vector<16xf32>,
        %swap3A_263 = arith.index_cast %add3A_236 : i32 to index
        %swap3A_264 = arith.constant 48 : index
        %swap3A_265 = tpu.vector_load %arg15[%swap3A_263, %swap3A_264] {strides = array<i32>} : memref<128x64xf32, #tpu.memory_space<vmem>>, vector<16xf32>,
        tpu.vector_store %arg15[%swap3A_263, %swap3A_264], %unpack3A_259 {strides = array<i32>} : memref<128x64xf32, #tpu.memory_space<vmem>>, vector<16xf32>,
        %scan3A_266 = arith.constant 2 : i32
        %scan3A_267 = arith.addi %scan3A_203, %scan3A_266 : i32
        %mul3A_268 = arith.constant 1 : i32
        %mul3A_269 = arith.muli %scan3A_267, %mul3A_268 : i32
        %add3A_270 = arith.constant 0 : i32
        %add3A_271 = arith.addi %add3A_270, %mul3A_269 : i32
        %broadcast_in_dim3A_272 = vector.broadcast %add3A_271 : i32 to vector<16xi32>
        %gather3A_273 = tpu.vector_load_idx %arg11[%broadcast_in_dim3A_272] : memref<128xf32, #tpu.memory_space<vmem>>[vector<16xi32>], vector<16xf32>,
        %pack3A_274 = tpu.pack_subelements %gather3A_273, %gather3A_273 {pack_format = #tpu.pack_format<interleaved>, positions = array<i32: 0, 1>} : vector<16xf32>, vector<16xf32> -> vector<32xbf16>
        %get3A_275 = arith.index_cast %add3A_271 : i32 to index
        %get3A_276 = arith.constant 0 : index
        %get3A_277 = tpu.vector_load %arg13[%get3A_275, %get3A_276] {strides = array<i32>} : memref<128x32xi32, #tpu.memory_space<vmem>>, vector<16xi32>,
        %bitcast3A_278 = vector.bitcast %get3A_277 : vector<16xi32> to vector<32xbf16>
        %mul3A_279 = arith.mulf %bitcast3A_278, %pack3A_274 : vector<32xbf16>
        %unpack3A_280 = tpu.unpack_subelements %mul3A_279, 0 {pack_format = #tpu.pack_format<interleaved>} : vector<32xbf16> -> vector<16xf32>
        %unpack3A_281 = tpu.unpack_subelements %mul3A_279, 1 {pack_format = #tpu.pack_format<interleaved>} : vector<32xbf16> -> vector<16xf32>
        %swap3A_282 = arith.index_cast %add3A_271 : i32 to index
        %swap3A_283 = arith.constant 0 : index
        %swap3A_284 = tpu.vector_load %arg15[%swap3A_282, %swap3A_283] {strides = array<i32>} : memref<128x64xf32, #tpu.memory_space<vmem>>, vector<16xf32>,
        tpu.vector_store %arg15[%swap3A_282, %swap3A_283], %unpack3A_280 {strides = array<i32>} : memref<128x64xf32, #tpu.memory_space<vmem>>, vector<16xf32>,
        %swap3A_285 = arith.index_cast %add3A_271 : i32 to index
        %swap3A_286 = arith.constant 16 : index
        %swap3A_287 = tpu.vector_load %arg15[%swap3A_285, %swap3A_286] {strides = array<i32>} : memref<128x64xf32, #tpu.memory_space<vmem>>, vector<16xf32>,
        tpu.vector_store %arg15[%swap3A_285, %swap3A_286], %unpack3A_281 {strides = array<i32>} : memref<128x64xf32, #tpu.memory_space<vmem>>, vector<16xf32>,
        %get3A_288 = arith.index_cast %add3A_271 : i32 to index
        %get3A_289 = arith.constant 16 : index
        %get3A_290 = tpu.vector_load %arg13[%get3A_288, %get3A_289] {strides = array<i32>} : memref<128x32xi32, #tpu.memory_space<vmem>>, vector<16xi32>,
        %bitcast3A_291 = vector.bitcast %get3A_290 : vector<16xi32> to vector<32xbf16>
        %mul3A_292 = arith.mulf %bitcast3A_291, %pack3A_274 : vector<32xbf16>
        %unpack3A_293 = tpu.unpack_subelements %mul3A_292, 0 {pack_format = #tpu.pack_format<interleaved>} : vector<32xbf16> -> vector<16xf32>
        %unpack3A_294 = tpu.unpack_subelements %mul3A_292, 1 {pack_format = #tpu.pack_format<interleaved>} : vector<32xbf16> -> vector<16xf32>
        %swap3A_295 = arith.index_cast %add3A_271 : i32 to index
        %swap3A_296 = arith.constant 32 : index
        %swap3A_297 = tpu.vector_load %arg15[%swap3A_295, %swap3A_296] {strides = array<i32>} : memref<128x64xf32, #tpu.memory_space<vmem>>, vector<16xf32>,
        tpu.vector_store %arg15[%swap3A_295, %swap3A_296], %unpack3A_293 {strides = array<i32>} : memref<128x64xf32, #tpu.memory_space<vmem>>, vector<16xf32>,
        %swap3A_298 = arith.index_cast %add3A_271 : i32 to index
        %swap3A_299 = arith.constant 48 : index
        %swap3A_300 = tpu.vector_load %arg15[%swap3A_298, %swap3A_299] {strides = array<i32>} : memref<128x64xf32, #tpu.memory_space<vmem>>, vector<16xf32>,
        tpu.vector_store %arg15[%swap3A_298, %swap3A_299], %unpack3A_294 {strides = array<i32>} : memref<128x64xf32, #tpu.memory_space<vmem>>, vector<16xf32>,
        %scan3A_301 = arith.constant 3 : i32
        %scan3A_302 = arith.addi %scan3A_203, %scan3A_301 : i32
        %mul3A_303 = arith.constant 1 : i32
        %mul3A_304 = arith.muli %scan3A_302, %mul3A_303 : i32
        %add3A_305 = arith.constant 0 : i32
        %add3A_306 = arith.addi %add3A_305, %mul3A_304 : i32
        %broadcast_in_dim3A_307 = vector.broadcast %add3A_306 : i32 to vector<16xi32>
        %gather3A_308 = tpu.vector_load_idx %arg11[%broadcast_in_dim3A_307] : memref<128xf32, #tpu.memory_space<vmem>>[vector<16xi32>], vector<16xf32>,
        %pack3A_309 = tpu.pack_subelements %gather3A_308, %gather3A_308 {pack_format = #tpu.pack_format<interleaved>, positions = array<i32: 0, 1>} : vector<16xf32>, vector<16xf32> -> vector<32xbf16>
        %get3A_310 = arith.index_cast %add3A_306 : i32 to index
        %get3A_311 = arith.constant 0 : index
        %get3A_312 = tpu.vector_load %arg13[%get3A_310, %get3A_311] {strides = array<i32>} : memref<128x32xi32, #tpu.memory_space<vmem>>, vector<16xi32>,
        %bitcast3A_313 = vector.bitcast %get3A_312 : vector<16xi32> to vector<32xbf16>
        %mul3A_314 = arith.mulf %bitcast3A_313, %pack3A_309 : vector<32xbf16>
        %unpack3A_315 = tpu.unpack_subelements %mul3A_314, 0 {pack_format = #tpu.pack_format<interleaved>} : vector<32xbf16> -> vector<16xf32>
        %unpack3A_316 = tpu.unpack_subelements %mul3A_314, 1 {pack_format = #tpu.pack_format<interleaved>} : vector<32xbf16> -> vector<16xf32>
        %swap3A_317 = arith.index_cast %add3A_306 : i32 to index
        %swap3A_318 = arith.constant 0 : index
        %swap3A_319 = tpu.vector_load %arg15[%swap3A_317, %swap3A_318] {strides = array<i32>} : memref<128x64xf32, #tpu.memory_space<vmem>>, vector<16xf32>,
        tpu.vector_store %arg15[%swap3A_317, %swap3A_318], %unpack3A_315 {strides = array<i32>} : memref<128x64xf32, #tpu.memory_space<vmem>>, vector<16xf32>,
        %swap3A_320 = arith.index_cast %add3A_306 : i32 to index
        %swap3A_321 = arith.constant 16 : index
        %swap3A_322 = tpu.vector_load %arg15[%swap3A_320, %swap3A_321] {strides = array<i32>} : memref<128x64xf32, #tpu.memory_space<vmem>>, vector<16xf32>,
        tpu.vector_store %arg15[%swap3A_320, %swap3A_321], %unpack3A_316 {strides = array<i32>} : memref<128x64xf32, #tpu.memory_space<vmem>>, vector<16xf32>,
        %get3A_323 = arith.index_cast %add3A_306 : i32 to index
        %get3A_324 = arith.constant 16 : index
        %get3A_325 = tpu.vector_load %arg13[%get3A_323, %get3A_324] {strides = array<i32>} : memref<128x32xi32, #tpu.memory_space<vmem>>, vector<16xi32>,
        %bitcast3A_326 = vector.bitcast %get3A_325 : vector<16xi32> to vector<32xbf16>
        %mul3A_327 = arith.mulf %bitcast3A_326, %pack3A_309 : vector<32xbf16>
        %unpack3A_328 = tpu.unpack_subelements %mul3A_327, 0 {pack_format = #tpu.pack_format<interleaved>} : vector<32xbf16> -> vector<16xf32>
        %unpack3A_329 = tpu.unpack_subelements %mul3A_327, 1 {pack_format = #tpu.pack_format<interleaved>} : vector<32xbf16> -> vector<16xf32>
        %swap3A_330 = arith.index_cast %add3A_306 : i32 to index
        %swap3A_331 = arith.constant 32 : index
        %swap3A_332 = tpu.vector_load %arg15[%swap3A_330, %swap3A_331] {strides = array<i32>} : memref<128x64xf32, #tpu.memory_space<vmem>>, vector<16xf32>,
        tpu.vector_store %arg15[%swap3A_330, %swap3A_331], %unpack3A_328 {strides = array<i32>} : memref<128x64xf32, #tpu.memory_space<vmem>>, vector<16xf32>,
        %swap3A_333 = arith.index_cast %add3A_306 : i32 to index
        %swap3A_334 = arith.constant 48 : index
        %swap3A_335 = tpu.vector_load %arg15[%swap3A_333, %swap3A_334] {strides = array<i32>} : memref<128x64xf32, #tpu.memory_space<vmem>>, vector<16xf32>,
        tpu.vector_store %arg15[%swap3A_333, %swap3A_334], %unpack3A_329 {strides = array<i32>} : memref<128x64xf32, #tpu.memory_space<vmem>>, vector<16xf32>,
        %scan3A_336 = arith.constant 4 : i32
        %scan3A_337 = arith.addi %scan3A_203, %scan3A_336 : i32
        %mul3A_338 = arith.constant 1 : i32
        %mul3A_339 = arith.muli %scan3A_337, %mul3A_338 : i32
        %add3A_340 = arith.constant 0 : i32
        %add3A_341 = arith.addi %add3A_340, %mul3A_339 : i32
        %broadcast_in_dim3A_342 = vector.broadcast %add3A_341 : i32 to vector<16xi32>
        %gather3A_343 = tpu.vector_load_idx %arg11[%broadcast_in_dim3A_342] : memref<128xf32, #tpu.memory_space<vmem>>[vector<16xi32>], vector<16xf32>,
        %pack3A_344 = tpu.pack_subelements %gather3A_343, %gather3A_343 {pack_format = #tpu.pack_format<interleaved>, positions = array<i32: 0, 1>} : vector<16xf32>, vector<16xf32> -> vector<32xbf16>
        %get3A_345 = arith.index_cast %add3A_341 : i32 to index
        %get3A_346 = arith.constant 0 : index
        %get3A_347 = tpu.vector_load %arg13[%get3A_345, %get3A_346] {strides = array<i32>} : memref<128x32xi32, #tpu.memory_space<vmem>>, vector<16xi32>,
        %bitcast3A_348 = vector.bitcast %get3A_347 : vector<16xi32> to vector<32xbf16>
        %mul3A_349 = arith.mulf %bitcast3A_348, %pack3A_344 : vector<32xbf16>
        %unpack3A_350 = tpu.unpack_subelements %mul3A_349, 0 {pack_format = #tpu.pack_format<interleaved>} : vector<32xbf16> -> vector<16xf32>
        %unpack3A_351 = tpu.unpack_subelements %mul3A_349, 1 {pack_format = #tpu.pack_format<interleaved>} : vector<32xbf16> -> vector<16xf32>
        %swap3A_352 = arith.index_cast %add3A_341 : i32 to index
        %swap3A_353 = arith.constant 0 : index
        %swap3A_354 = tpu.vector_load %arg15[%swap3A_352, %swap3A_353] {strides = array<i32>} : memref<128x64xf32, #tpu.memory_space<vmem>>, vector<16xf32>,
        tpu.vector_store %arg15[%swap3A_352, %swap3A_353], %unpack3A_350 {strides = array<i32>} : memref<128x64xf32, #tpu.memory_space<vmem>>, vector<16xf32>,
        %swap3A_355 = arith.index_cast %add3A_341 : i32 to index
        %swap3A_356 = arith.constant 16 : index
        %swap3A_357 = tpu.vector_load %arg15[%swap3A_355, %swap3A_356] {strides = array<i32>} : memref<128x64xf32, #tpu.memory_space<vmem>>, vector<16xf32>,
        tpu.vector_store %arg15[%swap3A_355, %swap3A_356], %unpack3A_351 {strides = array<i32>} : memref<128x64xf32, #tpu.memory_space<vmem>>, vector<16xf32>,
        %get3A_358 = arith.index_cast %add3A_341 : i32 to index
        %get3A_359 = arith.constant 16 : index
        %get3A_360 = tpu.vector_load %arg13[%get3A_358, %get3A_359] {strides = array<i32>} : memref<128x32xi32, #tpu.memory_space<vmem>>, vector<16xi32>,
        %bitcast3A_361 = vector.bitcast %get3A_360 : vector<16xi32> to vector<32xbf16>
        %mul3A_362 = arith.mulf %bitcast3A_361, %pack3A_344 : vector<32xbf16>
        %unpack3A_363 = tpu.unpack_subelements %mul3A_362, 0 {pack_format = #tpu.pack_format<interleaved>} : vector<32xbf16> -> vector<16xf32>
        %unpack3A_364 = tpu.unpack_subelements %mul3A_362, 1 {pack_format = #tpu.pack_format<interleaved>} : vector<32xbf16> -> vector<16xf32>
        %swap3A_365 = arith.index_cast %add3A_341 : i32 to index
        %swap3A_366 = arith.constant 32 : index
        %swap3A_367 = tpu.vector_load %arg15[%swap3A_365, %swap3A_366] {strides = array<i32>} : memref<128x64xf32, #tpu.memory_space<vmem>>, vector<16xf32>,
        tpu.vector_store %arg15[%swap3A_365, %swap3A_366], %unpack3A_363 {strides = array<i32>} : memref<128x64xf32, #tpu.memory_space<vmem>>, vector<16xf32>,
        %swap3A_368 = arith.index_cast %add3A_341 : i32 to index
        %swap3A_369 = arith.constant 48 : index
        %swap3A_370 = tpu.vector_load %arg15[%swap3A_368, %swap3A_369] {strides = array<i32>} : memref<128x64xf32, #tpu.memory_space<vmem>>, vector<16xf32>,
        tpu.vector_store %arg15[%swap3A_368, %swap3A_369], %unpack3A_364 {strides = array<i32>} : memref<128x64xf32, #tpu.memory_space<vmem>>, vector<16xf32>,
        %scan3A_371 = arith.constant 5 : i32
        %scan3A_372 = arith.addi %scan3A_203, %scan3A_371 : i32
        %mul3A_373 = arith.constant 1 : i32
        %mul3A_374 = arith.muli %scan3A_372, %mul3A_373 : i32
        %add3A_375 = arith.constant 0 : i32
        %add3A_376 = arith.addi %add3A_375, %mul3A_374 : i32
        %broadcast_in_dim3A_377 = vector.broadcast %add3A_376 : i32 to vector<16xi32>
        %gather3A_378 = tpu.vector_load_idx %arg11[%broadcast_in_dim3A_377] : memref<128xf32, #tpu.memory_space<vmem>>[vector<16xi32>], vector<16xf32>,
        %pack3A_379 = tpu.pack_subelements %gather3A_378, %gather3A_378 {pack_format = #tpu.pack_format<interleaved>, positions = array<i32: 0, 1>} : vector<16xf32>, vector<16xf32> -> vector<32xbf16>
        %get3A_380 = arith.index_cast %add3A_376 : i32 to index
        %get3A_381 = arith.constant 0 : index
        %get3A_382 = tpu.vector_load %arg13[%get3A_380, %get3A_381] {strides = array<i32>} : memref<128x32xi32, #tpu.memory_space<vmem>>, vector<16xi32>,
        %bitcast3A_383 = vector.bitcast %get3A_382 : vector<16xi32> to vector<32xbf16>
        %mul3A_384 = arith.mulf %bitcast3A_383, %pack3A_379 : vector<32xbf16>
        %unpack3A_385 = tpu.unpack_subelements %mul3A_384, 0 {pack_format = #tpu.pack_format<interleaved>} : vector<32xbf16> -> vector<16xf32>
        %unpack3A_386 = tpu.unpack_subelements %mul3A_384, 1 {pack_format = #tpu.pack_format<interleaved>} : vector<32xbf16> -> vector<16xf32>
        %swap3A_387 = arith.index_cast %add3A_376 : i32 to index
        %swap3A_388 = arith.constant 0 : index
        %swap3A_389 = tpu.vector_load %arg15[%swap3A_387, %swap3A_388] {strides = array<i32>} : memref<128x64xf32, #tpu.memory_space<vmem>>, vector<16xf32>,
        tpu.vector_store %arg15[%swap3A_387, %swap3A_388], %unpack3A_385 {strides = array<i32>} : memref<128x64xf32, #tpu.memory_space<vmem>>, vector<16xf32>,
        %swap3A_390 = arith.index_cast %add3A_376 : i32 to index
        %swap3A_391 = arith.constant 16 : index
        %swap3A_392 = tpu.vector_load %arg15[%swap3A_390, %swap3A_391] {strides = array<i32>} : memref<128x64xf32, #tpu.memory_space<vmem>>, vector<16xf32>,
        tpu.vector_store %arg15[%swap3A_390, %swap3A_391], %unpack3A_386 {strides = array<i32>} : memref<128x64xf32, #tpu.memory_space<vmem>>, vector<16xf32>,
        %get3A_393 = arith.index_cast %add3A_376 : i32 to index
        %get3A_394 = arith.constant 16 : index
        %get3A_395 = tpu.vector_load %arg13[%get3A_393, %get3A_394] {strides = array<i32>} : memref<128x32xi32, #tpu.memory_space<vmem>>, vector<16xi32>,
        %bitcast3A_396 = vector.bitcast %get3A_395 : vector<16xi32> to vector<32xbf16>
        %mul3A_397 = arith.mulf %bitcast3A_396, %pack3A_379 : vector<32xbf16>
        %unpack3A_398 = tpu.unpack_subelements %mul3A_397, 0 {pack_format = #tpu.pack_format<interleaved>} : vector<32xbf16> -> vector<16xf32>
        %unpack3A_399 = tpu.unpack_subelements %mul3A_397, 1 {pack_format = #tpu.pack_format<interleaved>} : vector<32xbf16> -> vector<16xf32>
        %swap3A_400 = arith.index_cast %add3A_376 : i32 to index
        %swap3A_401 = arith.constant 32 : index
        %swap3A_402 = tpu.vector_load %arg15[%swap3A_400, %swap3A_401] {strides = array<i32>} : memref<128x64xf32, #tpu.memory_space<vmem>>, vector<16xf32>,
        tpu.vector_store %arg15[%swap3A_400, %swap3A_401], %unpack3A_398 {strides = array<i32>} : memref<128x64xf32, #tpu.memory_space<vmem>>, vector<16xf32>,
        %swap3A_403 = arith.index_cast %add3A_376 : i32 to index
        %swap3A_404 = arith.constant 48 : index
        %swap3A_405 = tpu.vector_load %arg15[%swap3A_403, %swap3A_404] {strides = array<i32>} : memref<128x64xf32, #tpu.memory_space<vmem>>, vector<16xf32>,
        tpu.vector_store %arg15[%swap3A_403, %swap3A_404], %unpack3A_399 {strides = array<i32>} : memref<128x64xf32, #tpu.memory_space<vmem>>, vector<16xf32>,
        %scan3A_406 = arith.constant 6 : i32
        %scan3A_407 = arith.addi %scan3A_203, %scan3A_406 : i32
        %mul3A_408 = arith.constant 1 : i32
        %mul3A_409 = arith.muli %scan3A_407, %mul3A_408 : i32
        %add3A_410 = arith.constant 0 : i32
        %add3A_411 = arith.addi %add3A_410, %mul3A_409 : i32
        %broadcast_in_dim3A_412 = vector.broadcast %add3A_411 : i32 to vector<16xi32>
        %gather3A_413 = tpu.vector_load_idx %arg11[%broadcast_in_dim3A_412] : memref<128xf32, #tpu.memory_space<vmem>>[vector<16xi32>], vector<16xf32>,
        %pack3A_414 = tpu.pack_subelements %gather3A_413, %gather3A_413 {pack_format = #tpu.pack_format<interleaved>, positions = array<i32: 0, 1>} : vector<16xf32>, vector<16xf32> -> vector<32xbf16>
        %get3A_415 = arith.index_cast %add3A_411 : i32 to index
        %get3A_416 = arith.constant 0 : index
        %get3A_417 = tpu.vector_load %arg13[%get3A_415, %get3A_416] {strides = array<i32>} : memref<128x32xi32, #tpu.memory_space<vmem>>, vector<16xi32>,
        %bitcast3A_418 = vector.bitcast %get3A_417 : vector<16xi32> to vector<32xbf16>
        %mul3A_419 = arith.mulf %bitcast3A_418, %pack3A_414 : vector<32xbf16>
        %unpack3A_420 = tpu.unpack_subelements %mul3A_419, 0 {pack_format = #tpu.pack_format<interleaved>} : vector<32xbf16> -> vector<16xf32>
        %unpack3A_421 = tpu.unpack_subelements %mul3A_419, 1 {pack_format = #tpu.pack_format<interleaved>} : vector<32xbf16> -> vector<16xf32>
        %swap3A_422 = arith.index_cast %add3A_411 : i32 to index
        %swap3A_423 = arith.constant 0 : index
        %swap3A_424 = tpu.vector_load %arg15[%swap3A_422, %swap3A_423] {strides = array<i32>} : memref<128x64xf32, #tpu.memory_space<vmem>>, vector<16xf32>,
        tpu.vector_store %arg15[%swap3A_422, %swap3A_423], %unpack3A_420 {strides = array<i32>} : memref<128x64xf32, #tpu.memory_space<vmem>>, vector<16xf32>,
        %swap3A_425 = arith.index_cast %add3A_411 : i32 to index
        %swap3A_426 = arith.constant 16 : index
        %swap3A_427 = tpu.vector_load %arg15[%swap3A_425, %swap3A_426] {strides = array<i32>} : memref<128x64xf32, #tpu.memory_space<vmem>>, vector<16xf32>,
        tpu.vector_store %arg15[%swap3A_425, %swap3A_426], %unpack3A_421 {strides = array<i32>} : memref<128x64xf32, #tpu.memory_space<vmem>>, vector<16xf32>,
        %get3A_428 = arith.index_cast %add3A_411 : i32 to index
        %get3A_429 = arith.constant 16 : index
        %get3A_430 = tpu.vector_load %arg13[%get3A_428, %get3A_429] {strides = array<i32>} : memref<128x32xi32, #tpu.memory_space<vmem>>, vector<16xi32>,
        %bitcast3A_431 = vector.bitcast %get3A_430 : vector<16xi32> to vector<32xbf16>
        %mul3A_432 = arith.mulf %bitcast3A_431, %pack3A_414 : vector<32xbf16>
        %unpack3A_433 = tpu.unpack_subelements %mul3A_432, 0 {pack_format = #tpu.pack_format<interleaved>} : vector<32xbf16> -> vector<16xf32>
        %unpack3A_434 = tpu.unpack_subelements %mul3A_432, 1 {pack_format = #tpu.pack_format<interleaved>} : vector<32xbf16> -> vector<16xf32>
        %swap3A_435 = arith.index_cast %add3A_411 : i32 to index
        %swap3A_436 = arith.constant 32 : index
        %swap3A_437 = tpu.vector_load %arg15[%swap3A_435, %swap3A_436] {strides = array<i32>} : memref<128x64xf32, #tpu.memory_space<vmem>>, vector<16xf32>,
        tpu.vector_store %arg15[%swap3A_435, %swap3A_436], %unpack3A_433 {strides = array<i32>} : memref<128x64xf32, #tpu.memory_space<vmem>>, vector<16xf32>,
        %swap3A_438 = arith.index_cast %add3A_411 : i32 to index
        %swap3A_439 = arith.constant 48 : index
        %swap3A_440 = tpu.vector_load %arg15[%swap3A_438, %swap3A_439] {strides = array<i32>} : memref<128x64xf32, #tpu.memory_space<vmem>>, vector<16xf32>,
        tpu.vector_store %arg15[%swap3A_438, %swap3A_439], %unpack3A_434 {strides = array<i32>} : memref<128x64xf32, #tpu.memory_space<vmem>>, vector<16xf32>,
        %scan3A_441 = arith.constant 7 : i32
        %scan3A_442 = arith.addi %scan3A_203, %scan3A_441 : i32
        %mul3A_443 = arith.constant 1 : i32
        %mul3A_444 = arith.muli %scan3A_442, %mul3A_443 : i32
        %add3A_445 = arith.constant 0 : i32
        %add3A_446 = arith.addi %add3A_445, %mul3A_444 : i32
        %broadcast_in_dim3A_447 = vector.broadcast %add3A_446 : i32 to vector<16xi32>
        %gather3A_448 = tpu.vector_load_idx %arg11[%broadcast_in_dim3A_447] : memref<128xf32, #tpu.memory_space<vmem>>[vector<16xi32>], vector<16xf32>,
        %pack3A_449 = tpu.pack_subelements %gather3A_448, %gather3A_448 {pack_format = #tpu.pack_format<interleaved>, positions = array<i32: 0, 1>} : vector<16xf32>, vector<16xf32> -> vector<32xbf16>
        %get3A_450 = arith.index_cast %add3A_446 : i32 to index
        %get3A_451 = arith.constant 0 : index
        %get3A_452 = tpu.vector_load %arg13[%get3A_450, %get3A_451] {strides = array<i32>} : memref<128x32xi32, #tpu.memory_space<vmem>>, vector<16xi32>,
        %bitcast3A_453 = vector.bitcast %get3A_452 : vector<16xi32> to vector<32xbf16>
        %mul3A_454 = arith.mulf %bitcast3A_453, %pack3A_449 : vector<32xbf16>
        %unpack3A_455 = tpu.unpack_subelements %mul3A_454, 0 {pack_format = #tpu.pack_format<interleaved>} : vector<32xbf16> -> vector<16xf32>
        %unpack3A_456 = tpu.unpack_subelements %mul3A_454, 1 {pack_format = #tpu.pack_format<interleaved>} : vector<32xbf16> -> vector<16xf32>
        %swap3A_457 = arith.index_cast %add3A_446 : i32 to index
        %swap3A_458 = arith.constant 0 : index
        %swap3A_459 = tpu.vector_load %arg15[%swap3A_457, %swap3A_458] {strides = array<i32>} : memref<128x64xf32, #tpu.memory_space<vmem>>, vector<16xf32>,
        tpu.vector_store %arg15[%swap3A_457, %swap3A_458], %unpack3A_455 {strides = array<i32>} : memref<128x64xf32, #tpu.memory_space<vmem>>, vector<16xf32>,
        %swap3A_460 = arith.index_cast %add3A_446 : i32 to index
        %swap3A_461 = arith.constant 16 : index
        %swap3A_462 = tpu.vector_load %arg15[%swap3A_460, %swap3A_461] {strides = array<i32>} : memref<128x64xf32, #tpu.memory_space<vmem>>, vector<16xf32>,
        tpu.vector_store %arg15[%swap3A_460, %swap3A_461], %unpack3A_456 {strides = array<i32>} : memref<128x64xf32, #tpu.memory_space<vmem>>, vector<16xf32>,
        %get3A_463 = arith.index_cast %add3A_446 : i32 to index
        %get3A_464 = arith.constant 16 : index
        %get3A_465 = tpu.vector_load %arg13[%get3A_463, %get3A_464] {strides = array<i32>} : memref<128x32xi32, #tpu.memory_space<vmem>>, vector<16xi32>,
        %bitcast3A_466 = vector.bitcast %get3A_465 : vector<16xi32> to vector<32xbf16>
        %mul3A_467 = arith.mulf %bitcast3A_466, %pack3A_449 : vector<32xbf16>
        %unpack3A_468 = tpu.unpack_subelements %mul3A_467, 0 {pack_format = #tpu.pack_format<interleaved>} : vector<32xbf16> -> vector<16xf32>
        %unpack3A_469 = tpu.unpack_subelements %mul3A_467, 1 {pack_format = #tpu.pack_format<interleaved>} : vector<32xbf16> -> vector<16xf32>
        %swap3A_470 = arith.index_cast %add3A_446 : i32 to index
        %swap3A_471 = arith.constant 32 : index
        %swap3A_472 = tpu.vector_load %arg15[%swap3A_470, %swap3A_471] {strides = array<i32>} : memref<128x64xf32, #tpu.memory_space<vmem>>, vector<16xf32>,
        tpu.vector_store %arg15[%swap3A_470, %swap3A_471], %unpack3A_468 {strides = array<i32>} : memref<128x64xf32, #tpu.memory_space<vmem>>, vector<16xf32>,
        %swap3A_473 = arith.index_cast %add3A_446 : i32 to index
        %swap3A_474 = arith.constant 48 : index
        %swap3A_475 = tpu.vector_load %arg15[%swap3A_473, %swap3A_474] {strides = array<i32>} : memref<128x64xf32, #tpu.memory_space<vmem>>, vector<16xf32>,
        tpu.vector_store %arg15[%swap3A_473, %swap3A_474], %unpack3A_469 {strides = array<i32>} : memref<128x64xf32, #tpu.memory_space<vmem>>, vector<16xf32>,
      }
      %scan3A_134 = arith.constant 128 : i32
      %dma_start3A_135 = arith.constant 0 : i32
      %dma_start3A_136 = arith.constant 0 : i32
      %dma_start3A_137 = tpu.memref_slice %arg9[%dma_start3A_135, %dma_start3A_136] : memref<1x128xi32, #tpu.memory_space<vmem>> -> memref<1x128xi32, #tpu.memory_space<vmem>>
      %dma_start3A_138 = tpu.memref_squeeze %dma_start3A_137 : memref<1x128xi32, #tpu.memory_space<vmem>> -> memref<128xi32, #tpu.memory_space<vmem>>
      %dma_start3A_139 = arith.constant 0 : i32
      %dma_start3A_140 = arith.constant 0 : i32
      %dma_start3A_141 = tpu.memref_slice %arg17[%dma_start3A_139, %dma_start3A_140] : memref<10112x64xf32, #tpu.memory_space<vmem_shared>> -> memref<10112x64xf32, #tpu.memory_space<vmem_shared>>
      tpu.enqueue_indirect_dma source(%arg15 : memref<128x64xf32, #tpu.memory_space<vmem>>) target(%dma_start3A_141 : memref<10112x64xf32, #tpu.memory_space<vmem_shared>>) offsets(%dma_start3A_138 : memref<128xi32, #tpu.memory_space<vmem>>) semaphore(%arg25 : memref<!tpu.dma_semaphore, #tpu.memory_space<semaphore_mem>>) {add = true}
      %add3A_142 = arith.constant 2 : i32
      %add3A_143 = arith.addi %add3A_99, %add3A_142 : i32
      %lt3A_144 = arith.constant 158 : i32
      %lt3A_145 = arith.cmpi slt, %add3A_143, %lt3A_144 : i32
      %convert_element_type3A_146 = arith.extui %lt3A_145 : i1 to i32
      %cond3A_147 = arith.constant 0 : i32
      %cond3A_148 = arith.cmpi ne, %convert_element_type3A_146, %cond3A_147 : i32
      scf.if %cond3A_148 {
        %add3A_203 = arith.constant 2 : i32
        %add3A_204 = arith.addi %add3A_99, %add3A_203 : i32
        %mul3A_205 = arith.constant 128 : i32
        %mul3A_206 = arith.muli %add3A_204, %mul3A_205 : i32
        %add3A_207 = arith.addi %mul3A_1, %mul3A_206 : i32
        %dma_start3A_208 = tpu.memref_slice %arg4[%add3A_207] : memref<323584xf32, #tpu.memory_space<hbm>> -> memref<128xf32, #tpu.memory_space<hbm>>
        %dma_start3A_209 = tpu.memref_slice %arg4[%add3A_207] : memref<323584xf32, #tpu.memory_space<hbm>> -> memref<128xf32, #tpu.memory_space<hbm>>
        tpu.enqueue_dma source(%dma_start3A_209 : memref<128xf32, #tpu.memory_space<hbm>>) target(%arg11 : memref<128xf32, #tpu.memory_space<vmem>>) target_semaphore(%arg23 : memref<!tpu.dma_semaphore, #tpu.memory_space<semaphore_mem>>)
        %mul3A_210 = arith.constant 158 : i32
        %mul3A_211 = arith.muli %arg1, %mul3A_210 : i32
        %add3A_212 = arith.addi %mul3A_211, %add3A_204 : i32
        %dma_start3A_213 = arith.constant 0 : i32
        %dma_start3A_214 = arith.constant 0 : i32
        %dma_start3A_215 = tpu.memref_slice %arg3[%add3A_212, %dma_start3A_213, %dma_start3A_214] : memref<2528x1x128xi32, #tpu.memory_space<hbm>> -> memref<1x1x128xi32, #tpu.memory_space<hbm>>
        %dma_start3A_216 = tpu.memref_squeeze %dma_start3A_215 : memref<1x1x128xi32, #tpu.memory_space<hbm>> -> memref<1x128xi32, #tpu.memory_space<hbm>>
        %dma_start3A_217 = arith.constant 0 : i32
        %dma_start3A_218 = arith.constant 0 : i32
        %dma_start3A_219 = tpu.memref_slice %arg3[%add3A_212, %dma_start3A_217, %dma_start3A_218] : memref<2528x1x128xi32, #tpu.memory_space<hbm>> -> memref<1x1x128xi32, #tpu.memory_space<hbm>>
        %dma_start3A_220 = tpu.memref_squeeze %dma_start3A_219 : memref<1x1x128xi32, #tpu.memory_space<hbm>> -> memref<1x128xi32, #tpu.memory_space<hbm>>
        tpu.enqueue_dma source(%dma_start3A_220 : memref<1x128xi32, #tpu.memory_space<hbm>>) target(%arg9 : memref<1x128xi32, #tpu.memory_space<vmem>>) target_semaphore(%arg23 : memref<!tpu.dma_semaphore, #tpu.memory_space<semaphore_mem>>)
        %add3A_221 = arith.constant 2 : i32
        %add3A_222 = arith.addi %add3A_99, %add3A_221 : i32
        %mul3A_223 = arith.constant 128 : i32
        %mul3A_224 = arith.muli %add3A_222, %mul3A_223 : i32
        %add3A_225 = arith.addi %mul3A_1, %mul3A_224 : i32
        %dma_wait3A_226 = tpu.memref_slice %arg2[%add3A_225] : memref<323584xi32, #tpu.memory_space<hbm>> -> memref<128xi32, #tpu.memory_space<hbm>>
        %dma_wait3A_227 = tpu.memref_slice %arg2[%add3A_225] : memref<323584xi32, #tpu.memory_space<hbm>> -> memref<128xi32, #tpu.memory_space<hbm>>
        tpu.wait_dma2 semaphore(%arg22 : memref<!tpu.dma_semaphore, #tpu.memory_space<semaphore_mem>>) src(%dma_wait3A_227 : memref<128xi32, #tpu.memory_space<hbm>>) dst(%arg7 : memref<128xi32, #tpu.memory_space<vmem>>)
        %dma_start3A_228 = arith.constant 0 : i32
        %dma_start3A_229 = arith.constant 0 : i32
        %dma_start3A_230 = tpu.memref_slice %arg18[%dma_start3A_228, %dma_start3A_229] : memref<10000x32xi32, #tpu.memory_space<vmem_shared>> -> memref<10000x32xi32, #tpu.memory_space<vmem_shared>>
        tpu.enqueue_indirect_dma source(%dma_start3A_230 : memref<10000x32xi32, #tpu.memory_space<vmem_shared>>) target(%arg13 : memref<128x32xi32, #tpu.memory_space<vmem>>) offsets(%arg7 : memref<128xi32, #tpu.memory_space<vmem>>) semaphore(%arg20 : memref<!tpu.dma_semaphore, #tpu.memory_space<semaphore_mem>>)
      } else {
      }
      %dma_wait3A_149 = arith.constant 0 : i32
      %dma_wait3A_150 = arith.constant 0 : i32
      %dma_wait3A_151 = tpu.memref_slice %arg18[%dma_wait3A_149, %dma_wait3A_150] : memref<10000x32xi32, #tpu.memory_space<vmem_shared>> -> memref<10000x32xi32, #tpu.memory_space<vmem_shared>>
      tpu.wait_indirect_dma semaphore(%arg21 : memref<!tpu.dma_semaphore, #tpu.memory_space<semaphore_mem>>) src(%dma_wait3A_151 : memref<10000x32xi32, #tpu.memory_space<vmem_shared>>) dst(%arg14 : memref<128x32xi32, #tpu.memory_space<vmem>>)
      %add3A_152 = arith.constant 3 : i32
      %add3A_153 = arith.addi %add3A_99, %add3A_152 : i32
      %lt3A_154 = arith.constant 158 : i32
      %lt3A_155 = arith.cmpi slt, %add3A_153, %lt3A_154 : i32
      %convert_element_type3A_156 = arith.extui %lt3A_155 : i1 to i32
      %cond3A_157 = arith.constant 0 : i32
      %cond3A_158 = arith.cmpi ne, %convert_element_type3A_156, %cond3A_157 : i32
      scf.if %cond3A_158 {
        %add3A_203 = arith.constant 3 : i32
        %add3A_204 = arith.addi %add3A_99, %add3A_203 : i32
        %mul3A_205 = arith.constant 128 : i32
        %mul3A_206 = arith.muli %add3A_204, %mul3A_205 : i32
        %add3A_207 = arith.addi %mul3A_1, %mul3A_206 : i32
        %dma_start3A_208 = tpu.memref_slice %arg2[%add3A_207] : memref<323584xi32, #tpu.memory_space<hbm>> -> memref<128xi32, #tpu.memory_space<hbm>>
        %dma_start3A_209 = tpu.memref_slice %arg2[%add3A_207] : memref<323584xi32, #tpu.memory_space<hbm>> -> memref<128xi32, #tpu.memory_space<hbm>>
        tpu.enqueue_dma source(%dma_start3A_209 : memref<128xi32, #tpu.memory_space<hbm>>) target(%arg8 : memref<128xi32, #tpu.memory_space<vmem>>) target_semaphore(%arg22 : memref<!tpu.dma_semaphore, #tpu.memory_space<semaphore_mem>>)
      } else {
      }
      %add3A_159 = arith.constant 1 : i32
      %add3A_160 = arith.addi %add3A_99, %add3A_159 : i32
      %mul3A_161 = arith.constant 128 : i32
      %mul3A_162 = arith.muli %add3A_160, %mul3A_161 : i32
      %add3A_163 = arith.addi %mul3A_1, %mul3A_162 : i32
      %dma_wait3A_164 = tpu.memref_slice %arg4[%add3A_163] : memref<323584xf32, #tpu.memory_space<hbm>> -> memref<128xf32, #tpu.memory_space<hbm>>
      %dma_wait3A_165 = tpu.memref_slice %arg4[%add3A_163] : memref<323584xf32, #tpu.memory_space<hbm>> -> memref<128xf32, #tpu.memory_space<hbm>>
      tpu.wait_dma2 semaphore(%arg24 : memref<!tpu.dma_semaphore, #tpu.memory_space<semaphore_mem>>) src(%dma_wait3A_165 : memref<128xf32, #tpu.memory_space<hbm>>) dst(%arg12 : memref<128xf32, #tpu.memory_space<vmem>>)
      %mul3A_166 = arith.constant 158 : i32
      %mul3A_167 = arith.muli %arg1, %mul3A_166 : i32
      %add3A_168 = arith.addi %mul3A_167, %add3A_160 : i32
      %dma_wait3A_169 = arith.constant 0 : i32
      %dma_wait3A_170 = arith.constant 0 : i32
      %dma_wait3A_171 = tpu.memref_slice %arg3[%add3A_168, %dma_wait3A_169, %dma_wait3A_170] : memref<2528x1x128xi32, #tpu.memory_space<hbm>> -> memref<1x1x128xi32, #tpu.memory_space<hbm>>
      %dma_wait3A_172 = tpu.memref_squeeze %dma_wait3A_171 : memref<1x1x128xi32, #tpu.memory_space<hbm>> -> memref<1x128xi32, #tpu.memory_space<hbm>>
      %dma_wait3A_173 = arith.constant 0 : i32
      %dma_wait3A_174 = arith.constant 0 : i32
      %dma_wait3A_175 = tpu.memref_slice %arg3[%add3A_168, %dma_wait3A_173, %dma_wait3A_174] : memref<2528x1x128xi32, #tpu.memory_space<hbm>> -> memref<1x1x128xi32, #tpu.memory_space<hbm>>
      %dma_wait3A_176 = tpu.memref_squeeze %dma_wait3A_175 : memref<1x1x128xi32, #tpu.memory_space<hbm>> -> memref<1x128xi32, #tpu.memory_space<hbm>>
      tpu.wait_dma2 semaphore(%arg24 : memref<!tpu.dma_semaphore, #tpu.memory_space<semaphore_mem>>) src(%dma_wait3A_176 : memref<1x128xi32, #tpu.memory_space<hbm>>) dst(%arg10 : memref<1x128xi32, #tpu.memory_space<vmem>>)
      %add3A_177 = arith.constant 1 : i32
      %add3A_178 = arith.addi %add3A_99, %add3A_177 : i32
      %ge3A_179 = arith.constant 2 : i32
      %ge3A_180 = arith.cmpi sge, %add3A_178, %ge3A_179 : i32
      %convert_element_type3A_181 = arith.extui %ge3A_180 : i1 to i32
      %cond3A_182 = arith.constant 0 : i32
      %cond3A_183 = arith.cmpi ne, %convert_element_type3A_181, %cond3A_182 : i32
      scf.if %cond3A_183 {
        %dma_wait3A_203 = arith.constant 0 : i32
        %dma_wait3A_204 = arith.constant 0 : i32
        %dma_wait3A_205 = tpu.memref_slice %arg10[%dma_wait3A_203, %dma_wait3A_204] : memref<1x128xi32, #tpu.memory_space<vmem>> -> memref<1x128xi32, #tpu.memory_space<vmem>>
        %dma_wait3A_206 = tpu.memref_squeeze %dma_wait3A_205 : memref<1x128xi32, #tpu.memory_space<vmem>> -> memref<128xi32, #tpu.memory_space<vmem>>
        %dma_wait3A_207 = arith.constant 0 : i32
        %dma_wait3A_208 = arith.constant 0 : i32
        %dma_wait3A_209 = tpu.memref_slice %arg17[%dma_wait3A_207, %dma_wait3A_208] : memref<10112x64xf32, #tpu.memory_space<vmem_shared>> -> memref<10112x64xf32, #tpu.memory_space<vmem_shared>>
        tpu.wait_indirect_dma semaphore(%arg26 : memref<!tpu.dma_semaphore, #tpu.memory_space<semaphore_mem>>) src(%arg16 : memref<128x64xf32, #tpu.memory_space<vmem>>) dst(%dma_wait3A_209 : memref<10112x64xf32, #tpu.memory_space<vmem_shared>>)
      } else {
      }
      %scan3A_184 = arith.constant 0 : i32
      %scan3A_185 = arith.constant 128 : i32
      %scan3A_186 = arith.addi %scan3A_184, %scan3A_185 : i32
      %scan3A_187 = arith.constant 8 : i32
      scf.for %scan3A_203 = %scan3A_184 to %scan3A_186 step %scan3A_187  : i32 {
        %mul3A_204 = arith.constant 1 : i32
        %mul3A_205 = arith.muli %scan3A_203, %mul3A_204 : i32
        %add3A_206 = arith.constant 0 : i32
        %add3A_207 = arith.addi %add3A_206, %mul3A_205 : i32
        %broadcast_in_dim3A_208 = vector.broadcast %add3A_207 : i32 to vector<16xi32>
        %gather3A = tpu.vector_load_idx %arg12[%broadcast_in_dim3A_208] : memref<128xf32, #tpu.memory_space<vmem>>[vector<16xi32>], vector<16xf32>,
        %pack3A = tpu.pack_subelements %gather3A, %gather3A {pack_format = #tpu.pack_format<interleaved>, positions = array<i32: 0, 1>} : vector<16xf32>, vector<16xf32> -> vector<32xbf16>
        %get3A = arith.index_cast %add3A_207 : i32 to index
        %get3A_209 = arith.constant 0 : index
        %get3A_210 = tpu.vector_load %arg14[%get3A, %get3A_209] {strides = array<i32>} : memref<128x32xi32, #tpu.memory_space<vmem>>, vector<16xi32>,
        %bitcast3A = vector.bitcast %get3A_210 : vector<16xi32> to vector<32xbf16>
        %mul3A_211 = arith.mulf %bitcast3A, %pack3A : vector<32xbf16>
        %unpack3A = tpu.unpack_subelements %mul3A_211, 0 {pack_format = #tpu.pack_format<interleaved>} : vector<32xbf16> -> vector<16xf32>
        %unpack3A_212 = tpu.unpack_subelements %mul3A_211, 1 {pack_format = #tpu.pack_format<interleaved>} : vector<32xbf16> -> vector<16xf32>
        %swap3A = arith.index_cast %add3A_207 : i32 to index
        %swap3A_213 = arith.constant 0 : index
        %swap3A_214 = tpu.vector_load %arg16[%swap3A, %swap3A_213] {strides = array<i32>} : memref<128x64xf32, #tpu.memory_space<vmem>>, vector<16xf32>,
        tpu.vector_store %arg16[%swap3A, %swap3A_213], %unpack3A {strides = array<i32>} : memref<128x64xf32, #tpu.memory_space<vmem>>, vector<16xf32>,
        %swap3A_215 = arith.index_cast %add3A_207 : i32 to index
        %swap3A_216 = arith.constant 16 : index
        %swap3A_217 = tpu.vector_load %arg16[%swap3A_215, %swap3A_216] {strides = array<i32>} : memref<128x64xf32, #tpu.memory_space<vmem>>, vector<16xf32>,
        tpu.vector_store %arg16[%swap3A_215, %swap3A_216], %unpack3A_212 {strides = array<i32>} : memref<128x64xf32, #tpu.memory_space<vmem>>, vector<16xf32>,
        %get3A_218 = arith.index_cast %add3A_207 : i32 to index
        %get3A_219 = arith.constant 16 : index
        %get3A_220 = tpu.vector_load %arg14[%get3A_218, %get3A_219] {strides = array<i32>} : memref<128x32xi32, #tpu.memory_space<vmem>>, vector<16xi32>,
        %bitcast3A_221 = vector.bitcast %get3A_220 : vector<16xi32> to vector<32xbf16>
        %mul3A_222 = arith.mulf %bitcast3A_221, %pack3A : vector<32xbf16>
        %unpack3A_223 = tpu.unpack_subelements %mul3A_222, 0 {pack_format = #tpu.pack_format<interleaved>} : vector<32xbf16> -> vector<16xf32>
        %unpack3A_224 = tpu.unpack_subelements %mul3A_222, 1 {pack_format = #tpu.pack_format<interleaved>} : vector<32xbf16> -> vector<16xf32>
        %swap3A_225 = arith.index_cast %add3A_207 : i32 to index
        %swap3A_226 = arith.constant 32 : index
        %swap3A_227 = tpu.vector_load %arg16[%swap3A_225, %swap3A_226] {strides = array<i32>} : memref<128x64xf32, #tpu.memory_space<vmem>>, vector<16xf32>,
        tpu.vector_store %arg16[%swap3A_225, %swap3A_226], %unpack3A_223 {strides = array<i32>} : memref<128x64xf32, #tpu.memory_space<vmem>>, vector<16xf32>,
        %swap3A_228 = arith.index_cast %add3A_207 : i32 to index
        %swap3A_229 = arith.constant 48 : index
        %swap3A_230 = tpu.vector_load %arg16[%swap3A_228, %swap3A_229] {strides = array<i32>} : memref<128x64xf32, #tpu.memory_space<vmem>>, vector<16xf32>,
        tpu.vector_store %arg16[%swap3A_228, %swap3A_229], %unpack3A_224 {strides = array<i32>} : memref<128x64xf32, #tpu.memory_space<vmem>>, vector<16xf32>,
        %scan3A_231 = arith.constant 1 : i32
        %scan3A_232 = arith.addi %scan3A_203, %scan3A_231 : i32
        %mul3A_233 = arith.constant 1 : i32
        %mul3A_234 = arith.muli %scan3A_232, %mul3A_233 : i32
        %add3A_235 = arith.constant 0 : i32
        %add3A_236 = arith.addi %add3A_235, %mul3A_234 : i32
        %broadcast_in_dim3A_237 = vector.broadcast %add3A_236 : i32 to vector<16xi32>
        %gather3A_238 = tpu.vector_load_idx %arg12[%broadcast_in_dim3A_237] : memref<128xf32, #tpu.memory_space<vmem>>[vector<16xi32>], vector<16xf32>,
        %pack3A_239 = tpu.pack_subelements %gather3A_238, %gather3A_238 {pack_format = #tpu.pack_format<interleaved>, positions = array<i32: 0, 1>} : vector<16xf32>, vector<16xf32> -> vector<32xbf16>
        %get3A_240 = arith.index_cast %add3A_236 : i32 to index
        %get3A_241 = arith.constant 0 : index
        %get3A_242 = tpu.vector_load %arg14[%get3A_240, %get3A_241] {strides = array<i32>} : memref<128x32xi32, #tpu.memory_space<vmem>>, vector<16xi32>,
        %bitcast3A_243 = vector.bitcast %get3A_242 : vector<16xi32> to vector<32xbf16>
        %mul3A_244 = arith.mulf %bitcast3A_243, %pack3A_239 : vector<32xbf16>
        %unpack3A_245 = tpu.unpack_subelements %mul3A_244, 0 {pack_format = #tpu.pack_format<interleaved>} : vector<32xbf16> -> vector<16xf32>
        %unpack3A_246 = tpu.unpack_subelements %mul3A_244, 1 {pack_format = #tpu.pack_format<interleaved>} : vector<32xbf16> -> vector<16xf32>
        %swap3A_247 = arith.index_cast %add3A_236 : i32 to index
        %swap3A_248 = arith.constant 0 : index
        %swap3A_249 = tpu.vector_load %arg16[%swap3A_247, %swap3A_248] {strides = array<i32>} : memref<128x64xf32, #tpu.memory_space<vmem>>, vector<16xf32>,
        tpu.vector_store %arg16[%swap3A_247, %swap3A_248], %unpack3A_245 {strides = array<i32>} : memref<128x64xf32, #tpu.memory_space<vmem>>, vector<16xf32>,
        %swap3A_250 = arith.index_cast %add3A_236 : i32 to index
        %swap3A_251 = arith.constant 16 : index
        %swap3A_252 = tpu.vector_load %arg16[%swap3A_250, %swap3A_251] {strides = array<i32>} : memref<128x64xf32, #tpu.memory_space<vmem>>, vector<16xf32>,
        tpu.vector_store %arg16[%swap3A_250, %swap3A_251], %unpack3A_246 {strides = array<i32>} : memref<128x64xf32, #tpu.memory_space<vmem>>, vector<16xf32>,
        %get3A_253 = arith.index_cast %add3A_236 : i32 to index
        %get3A_254 = arith.constant 16 : index
        %get3A_255 = tpu.vector_load %arg14[%get3A_253, %get3A_254] {strides = array<i32>} : memref<128x32xi32, #tpu.memory_space<vmem>>, vector<16xi32>,
        %bitcast3A_256 = vector.bitcast %get3A_255 : vector<16xi32> to vector<32xbf16>
        %mul3A_257 = arith.mulf %bitcast3A_256, %pack3A_239 : vector<32xbf16>
        %unpack3A_258 = tpu.unpack_subelements %mul3A_257, 0 {pack_format = #tpu.pack_format<interleaved>} : vector<32xbf16> -> vector<16xf32>
        %unpack3A_259 = tpu.unpack_subelements %mul3A_257, 1 {pack_format = #tpu.pack_format<interleaved>} : vector<32xbf16> -> vector<16xf32>
        %swap3A_260 = arith.index_cast %add3A_236 : i32 to index
        %swap3A_261 = arith.constant 32 : index
        %swap3A_262 = tpu.vector_load %arg16[%swap3A_260, %swap3A_261] {strides = array<i32>} : memref<128x64xf32, #tpu.memory_space<vmem>>, vector<16xf32>,
        tpu.vector_store %arg16[%swap3A_260, %swap3A_261], %unpack3A_258 {strides = array<i32>} : memref<128x64xf32, #tpu.memory_space<vmem>>, vector<16xf32>,
        %swap3A_263 = arith.index_cast %add3A_236 : i32 to index
        %swap3A_264 = arith.constant 48 : index
        %swap3A_265 = tpu.vector_load %arg16[%swap3A_263, %swap3A_264] {strides = array<i32>} : memref<128x64xf32, #tpu.memory_space<vmem>>, vector<16xf32>,
        tpu.vector_store %arg16[%swap3A_263, %swap3A_264], %unpack3A_259 {strides = array<i32>} : memref<128x64xf32, #tpu.memory_space<vmem>>, vector<16xf32>,
        %scan3A_266 = arith.constant 2 : i32
        %scan3A_267 = arith.addi %scan3A_203, %scan3A_266 : i32
        %mul3A_268 = arith.constant 1 : i32
        %mul3A_269 = arith.muli %scan3A_267, %mul3A_268 : i32
        %add3A_270 = arith.constant 0 : i32
        %add3A_271 = arith.addi %add3A_270, %mul3A_269 : i32
        %broadcast_in_dim3A_272 = vector.broadcast %add3A_271 : i32 to vector<16xi32>
        %gather3A_273 = tpu.vector_load_idx %arg12[%broadcast_in_dim3A_272] : memref<128xf32, #tpu.memory_space<vmem>>[vector<16xi32>], vector<16xf32>,
        %pack3A_274 = tpu.pack_subelements %gather3A_273, %gather3A_273 {pack_format = #tpu.pack_format<interleaved>, positions = array<i32: 0, 1>} : vector<16xf32>, vector<16xf32> -> vector<32xbf16>
        %get3A_275 = arith.index_cast %add3A_271 : i32 to index
        %get3A_276 = arith.constant 0 : index
        %get3A_277 = tpu.vector_load %arg14[%get3A_275, %get3A_276] {strides = array<i32>} : memref<128x32xi32, #tpu.memory_space<vmem>>, vector<16xi32>,
        %bitcast3A_278 = vector.bitcast %get3A_277 : vector<16xi32> to vector<32xbf16>
        %mul3A_279 = arith.mulf %bitcast3A_278, %pack3A_274 : vector<32xbf16>
        %unpack3A_280 = tpu.unpack_subelements %mul3A_279, 0 {pack_format = #tpu.pack_format<interleaved>} : vector<32xbf16> -> vector<16xf32>
        %unpack3A_281 = tpu.unpack_subelements %mul3A_279, 1 {pack_format = #tpu.pack_format<interleaved>} : vector<32xbf16> -> vector<16xf32>
        %swap3A_282 = arith.index_cast %add3A_271 : i32 to index
        %swap3A_283 = arith.constant 0 : index
        %swap3A_284 = tpu.vector_load %arg16[%swap3A_282, %swap3A_283] {strides = array<i32>} : memref<128x64xf32, #tpu.memory_space<vmem>>, vector<16xf32>,
        tpu.vector_store %arg16[%swap3A_282, %swap3A_283], %unpack3A_280 {strides = array<i32>} : memref<128x64xf32, #tpu.memory_space<vmem>>, vector<16xf32>,
        %swap3A_285 = arith.index_cast %add3A_271 : i32 to index
        %swap3A_286 = arith.constant 16 : index
        %swap3A_287 = tpu.vector_load %arg16[%swap3A_285, %swap3A_286] {strides = array<i32>} : memref<128x64xf32, #tpu.memory_space<vmem>>, vector<16xf32>,
        tpu.vector_store %arg16[%swap3A_285, %swap3A_286], %unpack3A_281 {strides = array<i32>} : memref<128x64xf32, #tpu.memory_space<vmem>>, vector<16xf32>,
        %get3A_288 = arith.index_cast %add3A_271 : i32 to index
        %get3A_289 = arith.constant 16 : index
        %get3A_290 = tpu.vector_load %arg14[%get3A_288, %get3A_289] {strides = array<i32>} : memref<128x32xi32, #tpu.memory_space<vmem>>, vector<16xi32>,
        %bitcast3A_291 = vector.bitcast %get3A_290 : vector<16xi32> to vector<32xbf16>
        %mul3A_292 = arith.mulf %bitcast3A_291, %pack3A_274 : vector<32xbf16>
        %unpack3A_293 = tpu.unpack_subelements %mul3A_292, 0 {pack_format = #tpu.pack_format<interleaved>} : vector<32xbf16> -> vector<16xf32>
        %unpack3A_294 = tpu.unpack_subelements %mul3A_292, 1 {pack_format = #tpu.pack_format<interleaved>} : vector<32xbf16> -> vector<16xf32>
        %swap3A_295 = arith.index_cast %add3A_271 : i32 to index
        %swap3A_296 = arith.constant 32 : index
        %swap3A_297 = tpu.vector_load %arg16[%swap3A_295, %swap3A_296] {strides = array<i32>} : memref<128x64xf32, #tpu.memory_space<vmem>>, vector<16xf32>,
        tpu.vector_store %arg16[%swap3A_295, %swap3A_296], %unpack3A_293 {strides = array<i32>} : memref<128x64xf32, #tpu.memory_space<vmem>>, vector<16xf32>,
        %swap3A_298 = arith.index_cast %add3A_271 : i32 to index
        %swap3A_299 = arith.constant 48 : index
        %swap3A_300 = tpu.vector_load %arg16[%swap3A_298, %swap3A_299] {strides = array<i32>} : memref<128x64xf32, #tpu.memory_space<vmem>>, vector<16xf32>,
        tpu.vector_store %arg16[%swap3A_298, %swap3A_299], %unpack3A_294 {strides = array<i32>} : memref<128x64xf32, #tpu.memory_space<vmem>>, vector<16xf32>,
        %scan3A_301 = arith.constant 3 : i32
        %scan3A_302 = arith.addi %scan3A_203, %scan3A_301 : i32
        %mul3A_303 = arith.constant 1 : i32
        %mul3A_304 = arith.muli %scan3A_302, %mul3A_303 : i32
        %add3A_305 = arith.constant 0 : i32
        %add3A_306 = arith.addi %add3A_305, %mul3A_304 : i32
        %broadcast_in_dim3A_307 = vector.broadcast %add3A_306 : i32 to vector<16xi32>
        %gather3A_308 = tpu.vector_load_idx %arg12[%broadcast_in_dim3A_307] : memref<128xf32, #tpu.memory_space<vmem>>[vector<16xi32>], vector<16xf32>,
        %pack3A_309 = tpu.pack_subelements %gather3A_308, %gather3A_308 {pack_format = #tpu.pack_format<interleaved>, positions = array<i32: 0, 1>} : vector<16xf32>, vector<16xf32> -> vector<32xbf16>
        %get3A_310 = arith.index_cast %add3A_306 : i32 to index
        %get3A_311 = arith.constant 0 : index
        %get3A_312 = tpu.vector_load %arg14[%get3A_310, %get3A_311] {strides = array<i32>} : memref<128x32xi32, #tpu.memory_space<vmem>>, vector<16xi32>,
        %bitcast3A_313 = vector.bitcast %get3A_312 : vector<16xi32> to vector<32xbf16>
        %mul3A_314 = arith.mulf %bitcast3A_313, %pack3A_309 : vector<32xbf16>
        %unpack3A_315 = tpu.unpack_subelements %mul3A_314, 0 {pack_format = #tpu.pack_format<interleaved>} : vector<32xbf16> -> vector<16xf32>
        %unpack3A_316 = tpu.unpack_subelements %mul3A_314, 1 {pack_format = #tpu.pack_format<interleaved>} : vector<32xbf16> -> vector<16xf32>
        %swap3A_317 = arith.index_cast %add3A_306 : i32 to index
        %swap3A_318 = arith.constant 0 : index
        %swap3A_319 = tpu.vector_load %arg16[%swap3A_317, %swap3A_318] {strides = array<i32>} : memref<128x64xf32, #tpu.memory_space<vmem>>, vector<16xf32>,
        tpu.vector_store %arg16[%swap3A_317, %swap3A_318], %unpack3A_315 {strides = array<i32>} : memref<128x64xf32, #tpu.memory_space<vmem>>, vector<16xf32>,
        %swap3A_320 = arith.index_cast %add3A_306 : i32 to index
        %swap3A_321 = arith.constant 16 : index
        %swap3A_322 = tpu.vector_load %arg16[%swap3A_320, %swap3A_321] {strides = array<i32>} : memref<128x64xf32, #tpu.memory_space<vmem>>, vector<16xf32>,
        tpu.vector_store %arg16[%swap3A_320, %swap3A_321], %unpack3A_316 {strides = array<i32>} : memref<128x64xf32, #tpu.memory_space<vmem>>, vector<16xf32>,
        %get3A_323 = arith.index_cast %add3A_306 : i32 to index
        %get3A_324 = arith.constant 16 : index
        %get3A_325 = tpu.vector_load %arg14[%get3A_323, %get3A_324] {strides = array<i32>} : memref<128x32xi32, #tpu.memory_space<vmem>>, vector<16xi32>,
        %bitcast3A_326 = vector.bitcast %get3A_325 : vector<16xi32> to vector<32xbf16>
        %mul3A_327 = arith.mulf %bitcast3A_326, %pack3A_309 : vector<32xbf16>
        %unpack3A_328 = tpu.unpack_subelements %mul3A_327, 0 {pack_format = #tpu.pack_format<interleaved>} : vector<32xbf16> -> vector<16xf32>
        %unpack3A_329 = tpu.unpack_subelements %mul3A_327, 1 {pack_format = #tpu.pack_format<interleaved>} : vector<32xbf16> -> vector<16xf32>
        %swap3A_330 = arith.index_cast %add3A_306 : i32 to index
        %swap3A_331 = arith.constant 32 : index
        %swap3A_332 = tpu.vector_load %arg16[%swap3A_330, %swap3A_331] {strides = array<i32>} : memref<128x64xf32, #tpu.memory_space<vmem>>, vector<16xf32>,
        tpu.vector_store %arg16[%swap3A_330, %swap3A_331], %unpack3A_328 {strides = array<i32>} : memref<128x64xf32, #tpu.memory_space<vmem>>, vector<16xf32>,
        %swap3A_333 = arith.index_cast %add3A_306 : i32 to index
        %swap3A_334 = arith.constant 48 : index
        %swap3A_335 = tpu.vector_load %arg16[%swap3A_333, %swap3A_334] {strides = array<i32>} : memref<128x64xf32, #tpu.memory_space<vmem>>, vector<16xf32>,
        tpu.vector_store %arg16[%swap3A_333, %swap3A_334], %unpack3A_329 {strides = array<i32>} : memref<128x64xf32, #tpu.memory_space<vmem>>, vector<16xf32>,
        %scan3A_336 = arith.constant 4 : i32
        %scan3A_337 = arith.addi %scan3A_203, %scan3A_336 : i32
        %mul3A_338 = arith.constant 1 : i32
        %mul3A_339 = arith.muli %scan3A_337, %mul3A_338 : i32
        %add3A_340 = arith.constant 0 : i32
        %add3A_341 = arith.addi %add3A_340, %mul3A_339 : i32
        %broadcast_in_dim3A_342 = vector.broadcast %add3A_341 : i32 to vector<16xi32>
        %gather3A_343 = tpu.vector_load_idx %arg12[%broadcast_in_dim3A_342] : memref<128xf32, #tpu.memory_space<vmem>>[vector<16xi32>], vector<16xf32>,
        %pack3A_344 = tpu.pack_subelements %gather3A_343, %gather3A_343 {pack_format = #tpu.pack_format<interleaved>, positions = array<i32: 0, 1>} : vector<16xf32>, vector<16xf32> -> vector<32xbf16>
        %get3A_345 = arith.index_cast %add3A_341 : i32 to index
        %get3A_346 = arith.constant 0 : index
        %get3A_347 = tpu.vector_load %arg14[%get3A_345, %get3A_346] {strides = array<i32>} : memref<128x32xi32, #tpu.memory_space<vmem>>, vector<16xi32>,
        %bitcast3A_348 = vector.bitcast %get3A_347 : vector<16xi32> to vector<32xbf16>
        %mul3A_349 = arith.mulf %bitcast3A_348, %pack3A_344 : vector<32xbf16>
        %unpack3A_350 = tpu.unpack_subelements %mul3A_349, 0 {pack_format = #tpu.pack_format<interleaved>} : vector<32xbf16> -> vector<16xf32>
        %unpack3A_351 = tpu.unpack_subelements %mul3A_349, 1 {pack_format = #tpu.pack_format<interleaved>} : vector<32xbf16> -> vector<16xf32>
        %swap3A_352 = arith.index_cast %add3A_341 : i32 to index
        %swap3A_353 = arith.constant 0 : index
        %swap3A_354 = tpu.vector_load %arg16[%swap3A_352, %swap3A_353] {strides = array<i32>} : memref<128x64xf32, #tpu.memory_space<vmem>>, vector<16xf32>,
        tpu.vector_store %arg16[%swap3A_352, %swap3A_353], %unpack3A_350 {strides = array<i32>} : memref<128x64xf32, #tpu.memory_space<vmem>>, vector<16xf32>,
        %swap3A_355 = arith.index_cast %add3A_341 : i32 to index
        %swap3A_356 = arith.constant 16 : index
        %swap3A_357 = tpu.vector_load %arg16[%swap3A_355, %swap3A_356] {strides = array<i32>} : memref<128x64xf32, #tpu.memory_space<vmem>>, vector<16xf32>,
        tpu.vector_store %arg16[%swap3A_355, %swap3A_356], %unpack3A_351 {strides = array<i32>} : memref<128x64xf32, #tpu.memory_space<vmem>>, vector<16xf32>,
        %get3A_358 = arith.index_cast %add3A_341 : i32 to index
        %get3A_359 = arith.constant 16 : index
        %get3A_360 = tpu.vector_load %arg14[%get3A_358, %get3A_359] {strides = array<i32>} : memref<128x32xi32, #tpu.memory_space<vmem>>, vector<16xi32>,
        %bitcast3A_361 = vector.bitcast %get3A_360 : vector<16xi32> to vector<32xbf16>
        %mul3A_362 = arith.mulf %bitcast3A_361, %pack3A_344 : vector<32xbf16>
        %unpack3A_363 = tpu.unpack_subelements %mul3A_362, 0 {pack_format = #tpu.pack_format<interleaved>} : vector<32xbf16> -> vector<16xf32>
        %unpack3A_364 = tpu.unpack_subelements %mul3A_362, 1 {pack_format = #tpu.pack_format<interleaved>} : vector<32xbf16> -> vector<16xf32>
        %swap3A_365 = arith.index_cast %add3A_341 : i32 to index
        %swap3A_366 = arith.constant 32 : index
        %swap3A_367 = tpu.vector_load %arg16[%swap3A_365, %swap3A_366] {strides = array<i32>} : memref<128x64xf32, #tpu.memory_space<vmem>>, vector<16xf32>,
        tpu.vector_store %arg16[%swap3A_365, %swap3A_366], %unpack3A_363 {strides = array<i32>} : memref<128x64xf32, #tpu.memory_space<vmem>>, vector<16xf32>,
        %swap3A_368 = arith.index_cast %add3A_341 : i32 to index
        %swap3A_369 = arith.constant 48 : index
        %swap3A_370 = tpu.vector_load %arg16[%swap3A_368, %swap3A_369] {strides = array<i32>} : memref<128x64xf32, #tpu.memory_space<vmem>>, vector<16xf32>,
        tpu.vector_store %arg16[%swap3A_368, %swap3A_369], %unpack3A_364 {strides = array<i32>} : memref<128x64xf32, #tpu.memory_space<vmem>>, vector<16xf32>,
        %scan3A_371 = arith.constant 5 : i32
        %scan3A_372 = arith.addi %scan3A_203, %scan3A_371 : i32
        %mul3A_373 = arith.constant 1 : i32
        %mul3A_374 = arith.muli %scan3A_372, %mul3A_373 : i32
        %add3A_375 = arith.constant 0 : i32
        %add3A_376 = arith.addi %add3A_375, %mul3A_374 : i32
        %broadcast_in_dim3A_377 = vector.broadcast %add3A_376 : i32 to vector<16xi32>
        %gather3A_378 = tpu.vector_load_idx %arg12[%broadcast_in_dim3A_377] : memref<128xf32, #tpu.memory_space<vmem>>[vector<16xi32>], vector<16xf32>,
        %pack3A_379 = tpu.pack_subelements %gather3A_378, %gather3A_378 {pack_format = #tpu.pack_format<interleaved>, positions = array<i32: 0, 1>} : vector<16xf32>, vector<16xf32> -> vector<32xbf16>
        %get3A_380 = arith.index_cast %add3A_376 : i32 to index
        %get3A_381 = arith.constant 0 : index
        %get3A_382 = tpu.vector_load %arg14[%get3A_380, %get3A_381] {strides = array<i32>} : memref<128x32xi32, #tpu.memory_space<vmem>>, vector<16xi32>,
        %bitcast3A_383 = vector.bitcast %get3A_382 : vector<16xi32> to vector<32xbf16>
        %mul3A_384 = arith.mulf %bitcast3A_383, %pack3A_379 : vector<32xbf16>
        %unpack3A_385 = tpu.unpack_subelements %mul3A_384, 0 {pack_format = #tpu.pack_format<interleaved>} : vector<32xbf16> -> vector<16xf32>
        %unpack3A_386 = tpu.unpack_subelements %mul3A_384, 1 {pack_format = #tpu.pack_format<interleaved>} : vector<32xbf16> -> vector<16xf32>
        %swap3A_387 = arith.index_cast %add3A_376 : i32 to index
        %swap3A_388 = arith.constant 0 : index
        %swap3A_389 = tpu.vector_load %arg16[%swap3A_387, %swap3A_388] {strides = array<i32>} : memref<128x64xf32, #tpu.memory_space<vmem>>, vector<16xf32>,
        tpu.vector_store %arg16[%swap3A_387, %swap3A_388], %unpack3A_385 {strides = array<i32>} : memref<128x64xf32, #tpu.memory_space<vmem>>, vector<16xf32>,
        %swap3A_390 = arith.index_cast %add3A_376 : i32 to index
        %swap3A_391 = arith.constant 16 : index
        %swap3A_392 = tpu.vector_load %arg16[%swap3A_390, %swap3A_391] {strides = array<i32>} : memref<128x64xf32, #tpu.memory_space<vmem>>, vector<16xf32>,
        tpu.vector_store %arg16[%swap3A_390, %swap3A_391], %unpack3A_386 {strides = array<i32>} : memref<128x64xf32, #tpu.memory_space<vmem>>, vector<16xf32>,
        %get3A_393 = arith.index_cast %add3A_376 : i32 to index
        %get3A_394 = arith.constant 16 : index
        %get3A_395 = tpu.vector_load %arg14[%get3A_393, %get3A_394] {strides = array<i32>} : memref<128x32xi32, #tpu.memory_space<vmem>>, vector<16xi32>,
        %bitcast3A_396 = vector.bitcast %get3A_395 : vector<16xi32> to vector<32xbf16>
        %mul3A_397 = arith.mulf %bitcast3A_396, %pack3A_379 : vector<32xbf16>
        %unpack3A_398 = tpu.unpack_subelements %mul3A_397, 0 {pack_format = #tpu.pack_format<interleaved>} : vector<32xbf16> -> vector<16xf32>
        %unpack3A_399 = tpu.unpack_subelements %mul3A_397, 1 {pack_format = #tpu.pack_format<interleaved>} : vector<32xbf16> -> vector<16xf32>
        %swap3A_400 = arith.index_cast %add3A_376 : i32 to index
        %swap3A_401 = arith.constant 32 : index
        %swap3A_402 = tpu.vector_load %arg16[%swap3A_400, %swap3A_401] {strides = array<i32>} : memref<128x64xf32, #tpu.memory_space<vmem>>, vector<16xf32>,
        tpu.vector_store %arg16[%swap3A_400, %swap3A_401], %unpack3A_398 {strides = array<i32>} : memref<128x64xf32, #tpu.memory_space<vmem>>, vector<16xf32>,
        %swap3A_403 = arith.index_cast %add3A_376 : i32 to index
        %swap3A_404 = arith.constant 48 : index
        %swap3A_405 = tpu.vector_load %arg16[%swap3A_403, %swap3A_404] {strides = array<i32>} : memref<128x64xf32, #tpu.memory_space<vmem>>, vector<16xf32>,
        tpu.vector_store %arg16[%swap3A_403, %swap3A_404], %unpack3A_399 {strides = array<i32>} : memref<128x64xf32, #tpu.memory_space<vmem>>, vector<16xf32>,
        %scan3A_406 = arith.constant 6 : i32
        %scan3A_407 = arith.addi %scan3A_203, %scan3A_406 : i32
        %mul3A_408 = arith.constant 1 : i32
        %mul3A_409 = arith.muli %scan3A_407, %mul3A_408 : i32
        %add3A_410 = arith.constant 0 : i32
        %add3A_411 = arith.addi %add3A_410, %mul3A_409 : i32
        %broadcast_in_dim3A_412 = vector.broadcast %add3A_411 : i32 to vector<16xi32>
        %gather3A_413 = tpu.vector_load_idx %arg12[%broadcast_in_dim3A_412] : memref<128xf32, #tpu.memory_space<vmem>>[vector<16xi32>], vector<16xf32>,
        %pack3A_414 = tpu.pack_subelements %gather3A_413, %gather3A_413 {pack_format = #tpu.pack_format<interleaved>, positions = array<i32: 0, 1>} : vector<16xf32>, vector<16xf32> -> vector<32xbf16>
        %get3A_415 = arith.index_cast %add3A_411 : i32 to index
        %get3A_416 = arith.constant 0 : index
        %get3A_417 = tpu.vector_load %arg14[%get3A_415, %get3A_416] {strides = array<i32>} : memref<128x32xi32, #tpu.memory_space<vmem>>, vector<16xi32>,
        %bitcast3A_418 = vector.bitcast %get3A_417 : vector<16xi32> to vector<32xbf16>
        %mul3A_419 = arith.mulf %bitcast3A_418, %pack3A_414 : vector<32xbf16>
        %unpack3A_420 = tpu.unpack_subelements %mul3A_419, 0 {pack_format = #tpu.pack_format<interleaved>} : vector<32xbf16> -> vector<16xf32>
        %unpack3A_421 = tpu.unpack_subelements %mul3A_419, 1 {pack_format = #tpu.pack_format<interleaved>} : vector<32xbf16> -> vector<16xf32>
        %swap3A_422 = arith.index_cast %add3A_411 : i32 to index
        %swap3A_423 = arith.constant 0 : index
        %swap3A_424 = tpu.vector_load %arg16[%swap3A_422, %swap3A_423] {strides = array<i32>} : memref<128x64xf32, #tpu.memory_space<vmem>>, vector<16xf32>,
        tpu.vector_store %arg16[%swap3A_422, %swap3A_423], %unpack3A_420 {strides = array<i32>} : memref<128x64xf32, #tpu.memory_space<vmem>>, vector<16xf32>,
        %swap3A_425 = arith.index_cast %add3A_411 : i32 to index
        %swap3A_426 = arith.constant 16 : index
        %swap3A_427 = tpu.vector_load %arg16[%swap3A_425, %swap3A_426] {strides = array<i32>} : memref<128x64xf32, #tpu.memory_space<vmem>>, vector<16xf32>,
        tpu.vector_store %arg16[%swap3A_425, %swap3A_426], %unpack3A_421 {strides = array<i32>} : memref<128x64xf32, #tpu.memory_space<vmem>>, vector<16xf32>,
        %get3A_428 = arith.index_cast %add3A_411 : i32 to index
        %get3A_429 = arith.constant 16 : index
        %get3A_430 = tpu.vector_load %arg14[%get3A_428, %get3A_429] {strides = array<i32>} : memref<128x32xi32, #tpu.memory_space<vmem>>, vector<16xi32>,
        %bitcast3A_431 = vector.bitcast %get3A_430 : vector<16xi32> to vector<32xbf16>
        %mul3A_432 = arith.mulf %bitcast3A_431, %pack3A_414 : vector<32xbf16>
        %unpack3A_433 = tpu.unpack_subelements %mul3A_432, 0 {pack_format = #tpu.pack_format<interleaved>} : vector<32xbf16> -> vector<16xf32>
        %unpack3A_434 = tpu.unpack_subelements %mul3A_432, 1 {pack_format = #tpu.pack_format<interleaved>} : vector<32xbf16> -> vector<16xf32>
        %swap3A_435 = arith.index_cast %add3A_411 : i32 to index
        %swap3A_436 = arith.constant 32 : index
        %swap3A_437 = tpu.vector_load %arg16[%swap3A_435, %swap3A_436] {strides = array<i32>} : memref<128x64xf32, #tpu.memory_space<vmem>>, vector<16xf32>,
        tpu.vector_store %arg16[%swap3A_435, %swap3A_436], %unpack3A_433 {strides = array<i32>} : memref<128x64xf32, #tpu.memory_space<vmem>>, vector<16xf32>,
        %swap3A_438 = arith.index_cast %add3A_411 : i32 to index
        %swap3A_439 = arith.constant 48 : index
        %swap3A_440 = tpu.vector_load %arg16[%swap3A_438, %swap3A_439] {strides = array<i32>} : memref<128x64xf32, #tpu.memory_space<vmem>>, vector<16xf32>,
        tpu.vector_store %arg16[%swap3A_438, %swap3A_439], %unpack3A_434 {strides = array<i32>} : memref<128x64xf32, #tpu.memory_space<vmem>>, vector<16xf32>,
        %scan3A_441 = arith.constant 7 : i32
        %scan3A_442 = arith.addi %scan3A_203, %scan3A_441 : i32
        %mul3A_443 = arith.constant 1 : i32
        %mul3A_444 = arith.muli %scan3A_442, %mul3A_443 : i32
        %add3A_445 = arith.constant 0 : i32
        %add3A_446 = arith.addi %add3A_445, %mul3A_444 : i32
        %broadcast_in_dim3A_447 = vector.broadcast %add3A_446 : i32 to vector<16xi32>
        %gather3A_448 = tpu.vector_load_idx %arg12[%broadcast_in_dim3A_447] : memref<128xf32, #tpu.memory_space<vmem>>[vector<16xi32>], vector<16xf32>,
        %pack3A_449 = tpu.pack_subelements %gather3A_448, %gather3A_448 {pack_format = #tpu.pack_format<interleaved>, positions = array<i32: 0, 1>} : vector<16xf32>, vector<16xf32> -> vector<32xbf16>
        %get3A_450 = arith.index_cast %add3A_446 : i32 to index
        %get3A_451 = arith.constant 0 : index
        %get3A_452 = tpu.vector_load %arg14[%get3A_450, %get3A_451] {strides = array<i32>} : memref<128x32xi32, #tpu.memory_space<vmem>>, vector<16xi32>,
        %bitcast3A_453 = vector.bitcast %get3A_452 : vector<16xi32> to vector<32xbf16>
        %mul3A_454 = arith.mulf %bitcast3A_453, %pack3A_449 : vector<32xbf16>
        %unpack3A_455 = tpu.unpack_subelements %mul3A_454, 0 {pack_format = #tpu.pack_format<interleaved>} : vector<32xbf16> -> vector<16xf32>
        %unpack3A_456 = tpu.unpack_subelements %mul3A_454, 1 {pack_format = #tpu.pack_format<interleaved>} : vector<32xbf16> -> vector<16xf32>
        %swap3A_457 = arith.index_cast %add3A_446 : i32 to index
        %swap3A_458 = arith.constant 0 : index
        %swap3A_459 = tpu.vector_load %arg16[%swap3A_457, %swap3A_458] {strides = array<i32>} : memref<128x64xf32, #tpu.memory_space<vmem>>, vector<16xf32>,
        tpu.vector_store %arg16[%swap3A_457, %swap3A_458], %unpack3A_455 {strides = array<i32>} : memref<128x64xf32, #tpu.memory_space<vmem>>, vector<16xf32>,
        %swap3A_460 = arith.index_cast %add3A_446 : i32 to index
        %swap3A_461 = arith.constant 16 : index
        %swap3A_462 = tpu.vector_load %arg16[%swap3A_460, %swap3A_461] {strides = array<i32>} : memref<128x64xf32, #tpu.memory_space<vmem>>, vector<16xf32>,
        tpu.vector_store %arg16[%swap3A_460, %swap3A_461], %unpack3A_456 {strides = array<i32>} : memref<128x64xf32, #tpu.memory_space<vmem>>, vector<16xf32>,
        %get3A_463 = arith.index_cast %add3A_446 : i32 to index
        %get3A_464 = arith.constant 16 : index
        %get3A_465 = tpu.vector_load %arg14[%get3A_463, %get3A_464] {strides = array<i32>} : memref<128x32xi32, #tpu.memory_space<vmem>>, vector<16xi32>,
        %bitcast3A_466 = vector.bitcast %get3A_465 : vector<16xi32> to vector<32xbf16>
        %mul3A_467 = arith.mulf %bitcast3A_466, %pack3A_449 : vector<32xbf16>
        %unpack3A_468 = tpu.unpack_subelements %mul3A_467, 0 {pack_format = #tpu.pack_format<interleaved>} : vector<32xbf16> -> vector<16xf32>
        %unpack3A_469 = tpu.unpack_subelements %mul3A_467, 1 {pack_format = #tpu.pack_format<interleaved>} : vector<32xbf16> -> vector<16xf32>
        %swap3A_470 = arith.index_cast %add3A_446 : i32 to index
        %swap3A_471 = arith.constant 32 : index
        %swap3A_472 = tpu.vector_load %arg16[%swap3A_470, %swap3A_471] {strides = array<i32>} : memref<128x64xf32, #tpu.memory_space<vmem>>, vector<16xf32>,
        tpu.vector_store %arg16[%swap3A_470, %swap3A_471], %unpack3A_468 {strides = array<i32>} : memref<128x64xf32, #tpu.memory_space<vmem>>, vector<16xf32>,
        %swap3A_473 = arith.index_cast %add3A_446 : i32 to index
        %swap3A_474 = arith.constant 48 : index
        %swap3A_475 = tpu.vector_load %arg16[%swap3A_473, %swap3A_474] {strides = array<i32>} : memref<128x64xf32, #tpu.memory_space<vmem>>, vector<16xf32>,
        tpu.vector_store %arg16[%swap3A_473, %swap3A_474], %unpack3A_469 {strides = array<i32>} : memref<128x64xf32, #tpu.memory_space<vmem>>, vector<16xf32>,
      }
      %scan3A_188 = arith.constant 128 : i32
      %dma_start3A_189 = arith.constant 0 : i32
      %dma_start3A_190 = arith.constant 0 : i32
      %dma_start3A_191 = tpu.memref_slice %arg10[%dma_start3A_189, %dma_start3A_190] : memref<1x128xi32, #tpu.memory_space<vmem>> -> memref<1x128xi32, #tpu.memory_space<vmem>>
      %dma_start3A_192 = tpu.memref_squeeze %dma_start3A_191 : memref<1x128xi32, #tpu.memory_space<vmem>> -> memref<128xi32, #tpu.memory_space<vmem>>
      %dma_start3A_193 = arith.constant 0 : i32
      %dma_start3A_194 = arith.constant 0 : i32
      %dma_start3A_195 = tpu.memref_slice %arg17[%dma_start3A_193, %dma_start3A_194] : memref<10112x64xf32, #tpu.memory_space<vmem_shared>> -> memref<10112x64xf32, #tpu.memory_space<vmem_shared>>
      tpu.enqueue_indirect_dma source(%arg16 : memref<128x64xf32, #tpu.memory_space<vmem>>) target(%dma_start3A_195 : memref<10112x64xf32, #tpu.memory_space<vmem_shared>>) offsets(%dma_start3A_192 : memref<128xi32, #tpu.memory_space<vmem>>) semaphore(%arg26 : memref<!tpu.dma_semaphore, #tpu.memory_space<semaphore_mem>>) {add = true}
      %add3A_196 = arith.constant 3 : i32
      %add3A_197 = arith.addi %add3A_99, %add3A_196 : i32
      %lt3A_198 = arith.constant 158 : i32
      %lt3A_199 = arith.cmpi slt, %add3A_197, %lt3A_198 : i32
      %convert_element_type3A_200 = arith.extui %lt3A_199 : i1 to i32
      %cond3A_201 = arith.constant 0 : i32
      %cond3A_202 = arith.cmpi ne, %convert_element_type3A_200, %cond3A_201 : i32
      scf.if %cond3A_202 {
        %add3A_203 = arith.constant 3 : i32
        %add3A_204 = arith.addi %add3A_99, %add3A_203 : i32
        %mul3A_205 = arith.constant 128 : i32
        %mul3A_206 = arith.muli %add3A_204, %mul3A_205 : i32
        %add3A_207 = arith.addi %mul3A_1, %mul3A_206 : i32
        %dma_start3A_208 = tpu.memref_slice %arg4[%add3A_207] : memref<323584xf32, #tpu.memory_space<hbm>> -> memref<128xf32, #tpu.memory_space<hbm>>
        %dma_start3A_209 = tpu.memref_slice %arg4[%add3A_207] : memref<323584xf32, #tpu.memory_space<hbm>> -> memref<128xf32, #tpu.memory_space<hbm>>
        tpu.enqueue_dma source(%dma_start3A_209 : memref<128xf32, #tpu.memory_space<hbm>>) target(%arg12 : memref<128xf32, #tpu.memory_space<vmem>>) target_semaphore(%arg24 : memref<!tpu.dma_semaphore, #tpu.memory_space<semaphore_mem>>)
        %mul3A_210 = arith.constant 158 : i32
        %mul3A_211 = arith.muli %arg1, %mul3A_210 : i32
        %add3A_212 = arith.addi %mul3A_211, %add3A_204 : i32
        %dma_start3A_213 = arith.constant 0 : i32
        %dma_start3A_214 = arith.constant 0 : i32
        %dma_start3A_215 = tpu.memref_slice %arg3[%add3A_212, %dma_start3A_213, %dma_start3A_214] : memref<2528x1x128xi32, #tpu.memory_space<hbm>> -> memref<1x1x128xi32, #tpu.memory_space<hbm>>
        %dma_start3A_216 = tpu.memref_squeeze %dma_start3A_215 : memref<1x1x128xi32, #tpu.memory_space<hbm>> -> memref<1x128xi32, #tpu.memory_space<hbm>>
        %dma_start3A_217 = arith.constant 0 : i32
        %dma_start3A_218 = arith.constant 0 : i32
        %dma_start3A_219 = tpu.memref_slice %arg3[%add3A_212, %dma_start3A_217, %dma_start3A_218] : memref<2528x1x128xi32, #tpu.memory_space<hbm>> -> memref<1x1x128xi32, #tpu.memory_space<hbm>>
        %dma_start3A_220 = tpu.memref_squeeze %dma_start3A_219 : memref<1x1x128xi32, #tpu.memory_space<hbm>> -> memref<1x128xi32, #tpu.memory_space<hbm>>
        tpu.enqueue_dma source(%dma_start3A_220 : memref<1x128xi32, #tpu.memory_space<hbm>>) target(%arg10 : memref<1x128xi32, #tpu.memory_space<vmem>>) target_semaphore(%arg24 : memref<!tpu.dma_semaphore, #tpu.memory_space<semaphore_mem>>)
        %add3A_221 = arith.constant 3 : i32
        %add3A_222 = arith.addi %add3A_99, %add3A_221 : i32
        %mul3A_223 = arith.constant 128 : i32
        %mul3A_224 = arith.muli %add3A_222, %mul3A_223 : i32
        %add3A_225 = arith.addi %mul3A_1, %mul3A_224 : i32
        %dma_wait3A_226 = tpu.memref_slice %arg2[%add3A_225] : memref<323584xi32, #tpu.memory_space<hbm>> -> memref<128xi32, #tpu.memory_space<hbm>>
        %dma_wait3A_227 = tpu.memref_slice %arg2[%add3A_225] : memref<323584xi32, #tpu.memory_space<hbm>> -> memref<128xi32, #tpu.memory_space<hbm>>
        tpu.wait_dma2 semaphore(%arg22 : memref<!tpu.dma_semaphore, #tpu.memory_space<semaphore_mem>>) src(%dma_wait3A_227 : memref<128xi32, #tpu.memory_space<hbm>>) dst(%arg8 : memref<128xi32, #tpu.memory_space<vmem>>)
        %dma_start3A_228 = arith.constant 0 : i32
        %dma_start3A_229 = arith.constant 0 : i32
        %dma_start3A_230 = tpu.memref_slice %arg18[%dma_start3A_228, %dma_start3A_229] : memref<10000x32xi32, #tpu.memory_space<vmem_shared>> -> memref<10000x32xi32, #tpu.memory_space<vmem_shared>>
        tpu.enqueue_indirect_dma source(%dma_start3A_230 : memref<10000x32xi32, #tpu.memory_space<vmem_shared>>) target(%arg14 : memref<128x32xi32, #tpu.memory_space<vmem>>) offsets(%arg8 : memref<128xi32, #tpu.memory_space<vmem>>) semaphore(%arg21 : memref<!tpu.dma_semaphore, #tpu.memory_space<semaphore_mem>>)
      } else {
      }
    }
    %scan3A_75 = arith.constant 79 : i32
    %dma_wait3A_76 = arith.constant 0 : i32
    %dma_wait3A_77 = arith.constant 0 : i32
    %dma_wait3A_78 = tpu.memref_slice %arg9[%dma_wait3A_76, %dma_wait3A_77] : memref<1x128xi32, #tpu.memory_space<vmem>> -> memref<1x128xi32, #tpu.memory_space<vmem>>
    %dma_wait3A_79 = tpu.memref_squeeze %dma_wait3A_78 : memref<1x128xi32, #tpu.memory_space<vmem>> -> memref<128xi32, #tpu.memory_space<vmem>>
    %dma_wait3A_80 = arith.constant 0 : i32
    %dma_wait3A_81 = arith.constant 0 : i32
    %dma_wait3A_82 = tpu.memref_slice %arg17[%dma_wait3A_80, %dma_wait3A_81] : memref<10112x64xf32, #tpu.memory_space<vmem_shared>> -> memref<10112x64xf32, #tpu.memory_space<vmem_shared>>
    tpu.wait_indirect_dma semaphore(%arg25 : memref<!tpu.dma_semaphore, #tpu.memory_space<semaphore_mem>>) src(%arg15 : memref<128x64xf32, #tpu.memory_space<vmem>>) dst(%dma_wait3A_82 : memref<10112x64xf32, #tpu.memory_space<vmem_shared>>)
    %dma_wait3A_83 = arith.constant 0 : i32
    %dma_wait3A_84 = arith.constant 0 : i32
    %dma_wait3A_85 = tpu.memref_slice %arg10[%dma_wait3A_83, %dma_wait3A_84] : memref<1x128xi32, #tpu.memory_space<vmem>> -> memref<1x128xi32, #tpu.memory_space<vmem>>
    %dma_wait3A_86 = tpu.memref_squeeze %dma_wait3A_85 : memref<1x128xi32, #tpu.memory_space<vmem>> -> memref<128xi32, #tpu.memory_space<vmem>>
    %dma_wait3A_87 = arith.constant 0 : i32
    %dma_wait3A_88 = arith.constant 0 : i32
    %dma_wait3A_89 = tpu.memref_slice %arg17[%dma_wait3A_87, %dma_wait3A_88] : memref<10112x64xf32, #tpu.memory_space<vmem_shared>> -> memref<10112x64xf32, #tpu.memory_space<vmem_shared>>
    tpu.wait_indirect_dma semaphore(%arg26 : memref<!tpu.dma_semaphore, #tpu.memory_space<semaphore_mem>>) src(%arg16 : memref<128x64xf32, #tpu.memory_space<vmem>>) dst(%dma_wait3A_89 : memref<10112x64xf32, #tpu.memory_space<vmem_shared>>)
    %barrier3A_90 = arith.constant 0 : index
    tpu.barrier barrier_id(%barrier3A_90)
    %mul3A_91 = arith.constant 632 : i32
    %mul3A_92 = arith.muli %arg1, %mul3A_91 : i32
    %mul3A_93 = arith.constant 632 : i32
    %mul3A_94 = arith.muli %arg1, %mul3A_93 : i32
    "tpu.region"() ({
      %run_scoped3A = tpu.sem_alloc : memref<!tpu.dma_semaphore, #tpu.memory_space<semaphore_mem>>
      %dma_start3A_95 = arith.constant 0 : i32
      %dma_start3A_96 = tpu.memref_slice %arg6[%arg0, %mul3A_94, %dma_start3A_95] : memref<2x10112x64xf32, #tpu.memory_space<hbm>> -> memref<1x632x64xf32, #tpu.memory_space<hbm>>
      %dma_start3A_97 = tpu.memref_squeeze %dma_start3A_96 : memref<1x632x64xf32, #tpu.memory_space<hbm>> -> memref<632x64xf32, #tpu.memory_space<hbm>>
      %dma_start3A_98 = arith.constant 0 : i32
      %dma_start3A_99 = tpu.memref_slice %arg17[%mul3A_92, %dma_start3A_98] : memref<10112x64xf32, #tpu.memory_space<vmem_shared>> -> memref<632x64xf32, #tpu.memory_space<vmem_shared>>
      tpu.enqueue_dma source(%dma_start3A_99 : memref<632x64xf32, #tpu.memory_space<vmem_shared>>) target(%dma_start3A_97 : memref<632x64xf32, #tpu.memory_space<hbm>>) target_semaphore(%run_scoped3A : memref<!tpu.dma_semaphore, #tpu.memory_space<semaphore_mem>>)
      %dma_wait3A_100 = arith.constant 0 : i32
      %dma_wait3A_101 = tpu.memref_slice %arg6[%arg0, %mul3A_94, %dma_wait3A_100] : memref<2x10112x64xf32, #tpu.memory_space<hbm>> -> memref<1x632x64xf32, #tpu.memory_space<hbm>>
      %dma_wait3A_102 = tpu.memref_squeeze %dma_wait3A_101 : memref<1x632x64xf32, #tpu.memory_space<hbm>> -> memref<632x64xf32, #tpu.memory_space<hbm>>
      %dma_wait3A_103 = arith.constant 0 : i32
      %dma_wait3A_104 = tpu.memref_slice %arg17[%mul3A_92, %dma_wait3A_103] : memref<10112x64xf32, #tpu.memory_space<vmem_shared>> -> memref<632x64xf32, #tpu.memory_space<vmem_shared>>
      tpu.wait_dma2 semaphore(%run_scoped3A : memref<!tpu.dma_semaphore, #tpu.memory_space<semaphore_mem>>) src(%dma_wait3A_104 : memref<632x64xf32, #tpu.memory_space<vmem_shared>>) dst(%dma_wait3A_102 : memref<632x64xf32, #tpu.memory_space<hbm>>)
      tpu.yield
    }) : () -> ()
    return
  }
}

module attributes {stable_mosaic.version = 14 : i64} {
  func.func @_tc_finish(%arg0: i32, %arg1: memref<2x1264x64xf32, #tpu.memory_space<vmem>>, %arg2: memref<128x128xf32, #tpu.memory_space<vmem>>, %arg3: memref<1x128xf32, #tpu.memory_space<vmem>>, %arg4: memref<1264x128xf32, #tpu.memory_space<vmem>>) attributes {dimension_semantics = [#tpu.dimension_semantics<arbitrary>], iteration_bounds = array<i64: 8>, scalar_prefetch = 0 : i64, scratch_operands = 0 : i64, tpu.core_type = #tpu.core_type<tc>, window_params = [{transform_indices = @transform_0, window_bounds = array<i64: 2, 1264, 64>}, {pipeline_mode = #tpu.pipeline_mode<synchronous>, transform_indices = @transform_1, window_bounds = array<i64: 128, 128>}, {pipeline_mode = #tpu.pipeline_mode<synchronous>, transform_indices = @transform_2, window_bounds = array<i64: 1, 128>}, {transform_indices = @transform_3, window_bounds = array<i64: 1264, 128>}]} {
    %get3A = arith.constant 0 : index
    %get3A_0 = arith.constant 0 : index
    %get3A_1 = arith.constant 0 : index
    %get3A_2 = vector.load %arg1[%get3A, %get3A_0, %get3A_1] : memref<2x1264x64xf32, #tpu.memory_space<vmem>>, vector<1x1264x64xf32>
    %get3A_3 = vector.shape_cast %get3A_2 : vector<1x1264x64xf32> to vector<1264x64xf32>
    %get3A_4 = arith.constant 1 : index
    %get3A_5 = arith.constant 0 : index
    %get3A_6 = arith.constant 0 : index
    %get3A_7 = vector.load %arg1[%get3A_4, %get3A_5, %get3A_6] : memref<2x1264x64xf32, #tpu.memory_space<vmem>>, vector<1x1264x64xf32>
    %get3A_8 = vector.shape_cast %get3A_7 : vector<1x1264x64xf32> to vector<1264x64xf32>
    %concatenate3A = tpu.concatenate %get3A_3, %get3A_8 in 1 : vector<1264x64xf32>, vector<1264x64xf32> -> vector<1264x128xf32>
    %get3A_9 = arith.constant 0 : index
    %get3A_10 = arith.constant 0 : index
    %get3A_11 = vector.load %arg2[%get3A_9, %get3A_10] : memref<128x128xf32, #tpu.memory_space<vmem>>, vector<128x128xf32>
    %dot_general3A = arith.constant dense<0.000000e+00> : vector<1264x128xf32>
    %dot_general3A_12 = tpu.matmul %concatenate3A, %get3A_11, %dot_general3A {dimension_numbers = #tpu.dot_dimension_numbers<[1], [0], [0], [1], [0, 0, 1, 1], [], []>, transpose_lhs_hint = false} : vector<1264x128xf32>, vector<128x128xf32>, vector<1264x128xf32> -> vector<1264x128xf32>
    %get3A_13 = arith.constant 0 : index
    %get3A_14 = arith.constant 0 : index
    %get3A_15 = vector.load %arg3[%get3A_13, %get3A_14] : memref<1x128xf32, #tpu.memory_space<vmem>>, vector<1x128xf32>
    %add3A = vector.broadcast %get3A_15 : vector<1x128xf32> to vector<1264x128xf32>
    %add3A_16 = arith.addf %dot_general3A_12, %add3A : vector<1264x128xf32>
    %max3A = arith.constant 0.000000e+00 : f32
    %max3A_17 = vector.broadcast %max3A : f32 to vector<1264x128xf32>
    %max3A_18 = arith.maximumf %add3A_16, %max3A_17 : vector<1264x128xf32>
    %swap3A = arith.constant 0 : index
    %swap3A_19 = arith.constant 0 : index
    %swap3A_20 = vector.load %arg4[%swap3A, %swap3A_19] : memref<1264x128xf32, #tpu.memory_space<vmem>>, vector<1264x128xf32>
    tpu.vector_store %arg4[%swap3A, %swap3A_19], %max3A_18 {strides = array<i32>} : memref<1264x128xf32, #tpu.memory_space<vmem>>, vector<1264x128xf32>,
    return
  }
  func.func @transform_0(%arg0: i32) -> (i32, i32, i32) {
    %c0_i32 = arith.constant 0 : i32
    %c0_i32_0 = arith.constant 0 : i32
    %c0_i32_1 = arith.constant 0 : i32
    return %c0_i32, %arg0, %c0_i32_0 : i32, i32, i32
  }
  func.func @transform_1(%arg0: i32) -> (i32, i32) {
    %c0_i32 = arith.constant 0 : i32
    %c0_i32_0 = arith.constant 0 : i32
    %c0_i32_1 = arith.constant 0 : i32
    return %c0_i32, %c0_i32_0 : i32, i32
  }
  func.func @transform_2(%arg0: i32) -> (i32, i32) {
    %c0_i32 = arith.constant 0 : i32
    %c0_i32_0 = arith.constant 0 : i32
    %c0_i32_1 = arith.constant 0 : i32
    return %c0_i32, %c0_i32_0 : i32, i32
  }
  func.func @transform_3(%arg0: i32) -> (i32, i32) {
    %c0_i32 = arith.constant 0 : i32
    %c0_i32_0 = arith.constant 0 : i32
    return %arg0, %c0_i32 : i32, i32
  }
}

</mosaic_0001>

<sc_bundles>
// kernel: kernel.4.cloned.1.call-start
scs
__scs_entry_jumppad:
0x0: {  	(pc) =	sbr.rel $0x88, $3  }
0x1: {  	(tag) =	ssettag $0x0;
	lr =	simm.s32 $0x1  }
0x2: {  	[smem:$0x3F9C] =	sst lr;
	_ =	strace $0xD0000000  }
0x3: {  	_ = 	snop  }
0x4: {  	_ = 	snop  }
0x5: {  	_ = 	snop  }
0x6: {  	_ = 	snop  }
0x7: {  	_ = 	snop  }
__scs_overlays_trampoline_lowered:
0x8: {  	[smem:$0x3FAB] =	sst s0  }
0x9: {  	[smem:$0x3FAC] =	sst s1  }
0xa: {  	[smem:$0x3FAD] =	sst s2  }
0xb: {  	[smem:$0x3FAE] =	sst s3  }
0xc: {  	[smem:$0x3FAF] =	sst s4  }
0xd: {  	[smem:$0x3FB0] =	sst s5  }
0xe: {  	[smem:$0x3FB1] =	sst s6  }
0xf: {  	[smem:$0x3FB2] =	sst s7  }
0x10: {  	[smem:$0x3FB3] =	sst s8  }
0x11: {  	[smem:$0x3FB4] =	sst s9;
	s0 =	simm.s32 @!p0 $0x0  }
0x12: {  	s1 =	sld [smem:$0x3F9A];
	s0 =	simm.s32 @p0 $0x1  }
0x13: {  	[smem:$0x3FB5] =	sst s0;
	s0 =	simm.s32 @!p1 $0x0  }
0x14: {  	s2 =	sld [smem:$0x3F99];
	s0 =	simm.s32 @p1 $0x1  }
0x15: {  	[smem:$0x3FB6] =	sst s0;
	s0 =	simm.s32 @!p2 $0x0  }
0x16: {  	s3 =	sld [smem:$0x3FDB];
	s0 =	simm.s32 @p2 $0x1  }
0x17: {  	s4 =	simm.s32 $0x1BF5;
	[smem:$0x3FB8] =	sst s0  }
0x18: {  	s0 =	sld [smem:$0x3F9B];
	_ =	swait.ge [sflag:s4], $0x0  }
0x19: {  	s7 =	sld [smem:$0x3F9C]  }
0x1a: {  	s8 =	sadd.s32 $0xFFFFE003, lr  }
0x1b: {  	s9 =	sadd.s32 $0xFFFFFEF7, lr;
	s5 =	simm.s32 $0xFFFFFFFF;
	p2 =	slt.u32 s8, $0xFFFFF086  }
0x1c: {  	p1 =	slt.u32 s9, $0xF7A;
	s5 =	simm.s32 @!p2 $0x0  }
0x1d: {  	s5 =	simm.s32 @p1 $0x1;
	p0 =	seq.s32 s7, s2  }
0x1e: {  	s7 =	smul.u32 @!p0 $0xF7A, s2;
	p2 =	seq.s32 @!p0 s5, $0x0  }
0x1f: {  	s9 =	smul.u32 $0xF7A, s1;
	s8 =	simm.s32 @!p0 $0x1BF5;
	p2 =	por !p2, p0  }
0x20: {  	[sflag:s8] =	ssyncset.s32 @!p0 $0xFFFFF086;
	s6 =	sadd.s32 @!p0 s3, s7;
	s7 =	simm.s32 @!p0 $0x108  }
0x21: {  	s3 =	sadd.s32 s3, s9;
	s6 =	sadd.s32 @!p0 $0x88, s6;
	s7 =	simm.s32 @p2 $0x1082  }
0x22: {  	[simem:s7], [sflag:s8] =	dma.local @!p0 [hbm:s6], $0xF7A  }
0x23: {  	s9 =	sor.u32 $0xD0000000, s2;
	s6 =	simm.s32 $0x108;
	_ =	swait.ge @!p0 [sflag:s8], $0x0  }
0x24: {  	s3 =	sadd.s32 $0x88, s3;
	s6 =	simm.s32 @!p1 $0x1082;
	[sflag:s4] =	ssyncset.s32 $0xFFFFF086  }
0x25: {  	[simem:s6], [sflag:s4] =	dma.local [hbm:s3], $0xF7A  }
0x26: {  	[smem:$0x3F9C] =	sst s1;
	(tag) =	ssettag s2;
	_ =	strace s9  }
0x27: {  	s1 =	sld [smem:$0x3FAC]  }
0x28: {  	s2 =	sld [smem:$0x3FAD]  }
0x29: {  	s4 =	sld [smem:$0x3FAF]  }
0x2a: {  	p0 =	seq.s32 s5, $0x0;
	s5 =	sld [smem:$0x3FB0]  }
0x2b: {  	s6 =	sld [smem:$0x3FB1]  }
0x2c: {  	s7 =	sld [smem:$0x3FB2]  }
0x2d: {  	s3 =	simm.s32 $0x108;
	s8 =	sld [smem:$0x3FB3]  }
0x2e: {  	s3 =	simm.s32 @!p0 $0x1082;
	s9 =	sld [smem:$0x3FB4]  }
0x2f: {  	lr =	sadd.s32 s0, s3;
	s0 =	sld [smem:$0x3FAB]  }
0x30: {  	s3 =	sld [smem:$0x3FAE]  }
0x31: {  	[smem:$0x3FB7] =	sst s10  }
0x32: {  	s10 =	sld [smem:$0x3FB5];
	_ =	sdelay $0x3  }
0x33: {  	p0 =	seq.s32 s10, $0x1;
	s10 =	sld [smem:$0x3FB7];
	_ =	sdelay $0x3  }
0x34: {  	[smem:$0x3FB7] =	sst s10  }
0x35: {  	s10 =	sld [smem:$0x3FB6];
	_ =	sdelay $0x3  }
0x36: {  	p1 =	seq.s32 s10, $0x1;
	s10 =	sld [smem:$0x3FB7];
	_ =	sdelay $0x3  }
0x37: {  	[smem:$0x3FB7] =	sst s10  }
0x38: {  	s10 =	sld [smem:$0x3FB8]  }
0x39: {  	_ = 	snop;
	(pc) =	sbr.ind lr, $3  }
0x3a: {  	_ = 	snop  }
0x3b: {  	_ = 	snop  }
0x3c: {  	p2 =	seq.s32 s10, $0x1;
	s10 =	sld [smem:$0x3FB7]  }
0x3d: {  	_ =	shalt  }
0x3e: {  	_ =	shalt  }
0x3f: {  	_ =	shalt  }
0x40: {  	_ =	shalt  }
0x41: {  	_ =	shalt  }
0x42: {  	_ =	shalt  }
0x43: {  	_ =	shalt  }
0x44: {  	_ =	shalt  }
0x45: {  	_ =	shalt  }
0x46: {  	_ =	shalt  }
0x47: {  	_ =	shalt  }
0x48: {  	_ =	shalt  }
0x49: {  	_ =	shalt  }
0x4a: {  	_ =	shalt  }
0x4b: {  	_ =	shalt  }
0x4c: {  	_ =	shalt  }
0x4d: {  	_ =	shalt  }
0x4e: {  	_ =	shalt  }
0x4f: {  	_ =	shalt  }
0x50: {  	_ =	shalt  }
0x51: {  	_ =	shalt  }
0x52: {  	_ =	shalt  }
0x53: {  	_ =	shalt  }
0x54: {  	_ =	shalt  }
0x55: {  	_ =	shalt  }
0x56: {  	_ =	shalt  }
0x57: {  	_ =	shalt  }
0x58: {  	_ =	shalt  }
0x59: {  	_ =	shalt  }
0x5a: {  	_ =	shalt  }
0x5b: {  	_ =	shalt  }
0x5c: {  	_ =	shalt  }
0x5d: {  	_ =	shalt  }
0x5e: {  	_ =	shalt  }
0x5f: {  	_ =	shalt  }
0x60: {  	_ =	shalt  }
0x61: {  	_ =	shalt  }
0x62: {  	_ =	shalt  }
0x63: {  	_ =	shalt  }
0x64: {  	_ =	shalt  }
0x65: {  	_ =	shalt  }
0x66: {  	_ =	shalt  }
0x67: {  	_ =	shalt  }
0x68: {  	_ =	shalt  }
0x69: {  	_ =	shalt  }
0x6a: {  	_ =	shalt  }
0x6b: {  	_ =	shalt  }
0x6c: {  	_ =	shalt  }
0x6d: {  	_ =	shalt  }
0x6e: {  	_ =	shalt  }
0x6f: {  	_ =	shalt  }
0x70: {  	_ =	shalt  }
0x71: {  	_ =	shalt  }
0x72: {  	_ =	shalt  }
0x73: {  	_ =	shalt  }
0x74: {  	_ =	shalt  }
0x75: {  	_ =	shalt  }
0x76: {  	_ =	shalt  }
0x77: {  	_ =	shalt  }
0x78: {  	_ =	shalt  }
0x79: {  	_ =	shalt  }
0x7a: {  	_ =	shalt  }
0x7b: {  	_ =	shalt  }
0x7c: {  	_ =	shalt  }
0x7d: {  	_ =	shalt  }
0x7e: {  	_ =	shalt  }
0x7f: {  	_ =	shalt  }
0x80: {  	_ =	shalt  }
0x81: {  	_ =	shalt  }
0x82: {  	_ =	shalt  }
0x83: {  	_ =	shalt  }
0x84: {  	_ =	shalt  }
0x85: {  	_ =	shalt  }
0x86: {  	_ =	shalt  }
0x87: {  	_ =	shalt  }
.Lfunc_end0:
.L_simem_size_0:
called_computation_lowered:
.L_overlay_start_0:
0x88: {  	s2 =	sld [smem:$0x3FD9]  }
0x89: {  	s3 =	sld [smem:$0x3FFE];
	_ =	sdelay $0x1  }
0x8a: {  	s1 =	srdreg.scid  }
0x8b: {  	s0 =	sand.u32 $0x1, s1  }
0x8c: {  	s17 =	sshll.u32 s0, $0xA;
	s2 =	sadd.s32 s3, s2  }
0x8d: {  	s2 =	sadd.s32 s2, s17  }
0x8e: {  	[smem:$0x3FC3] =	sst s2  }
0x8f: {  	_ = 	snop  }
0x90: {  	s2 =	sld [smem:$0x3FD0];
	(tm) =	ssettm $0x1  }
0x91: {  	s18 =	sld [smem:$0x3FFB];
	_ =	sdelay $0x3  }
0x92: {  	_ =	strace s18  }
0x93: {  	s3 =	sld [smem:$0x3FFC];
	_ =	sdelay $0x3  }
0x94: {  	_ =	strace s3  }
0x95: {  	s3 =	sld [smem:$0x3FFD];
	_ =	sdelay $0x3  }
0x96: {  	_ =	strace s3  }
0x97: {  	_ =	strace $0x8FFFFFFF  }
0x98: {  	s19 =	sld [smem:$0x3FDB];
	_ =	sdelay $0x1  }
0x99: {  	s4 =	simm.s32 $_scs_section_size  }
0x9a: {  	s5 =	simm.s32 $_size__tile_overlayer_lowered;
	s6 =	simm.s32 $_tile_overlayer_lowered  }
0x9b: {  	s22 =	simm.s32 $0x1BFF;
	s21 =	sshll.u32 s6, $0x1;
	s3 =	sadd.s32 s4, s19  }
0x9c: {  	s7 =	simm.s32 $0x0;
	s20 =	sshll.u32 s5, $0x1;
	s5 =	sadd.s32 s21, s3  }
0x9d: {  	[timem:s7], [sflag:s22] =	dma.local [hbm:s5], s20  }
0x9e: {  	_ =	swait.ge [sflag:s22], s20  }
0x9f: {  	s4 =	ssub.s32 $0x0, s20;
	[sflag:s22] =	ssyncset.done $0x0  }
0xa0: {  	[sflag:s22] =	ssyncadd.s32 s4;
	_ =	sdelay $0x1  }
0xa1: {  	s23 =	simm.s32 $0x1B8B  }
0xa2: {  	_ =	swait.ge [sflag:s23], $0x1  }
0xa3: {  	[sflag:s23] =	ssyncset.done $0x0  }
0xa4: {  	s25 =	simm.s32 $0x1B8E;
	s24 =	sld [smem:$0x3FFE];
	[sflag:s23] =	ssyncadd.s32 $0xFFFFFFFF  }
0xa5: {  	s26 =	simm.s32 $execute0_lowered;
	[smem:$0x3FD2] =	sst s25  }
0xa6: {  	s5 =	sshll.u32 s26, $0x1;
	_ =	strace $0x80000046;
	[dreg:$0x1] =	wrdreg $0xFFFFFFFF  }
0xa7: {  	s28 =	simm.s32 $_size_execute0_lowered;
	s3 =	sadd.s32 s3, s5;
	[dreg:$0x0] =	wrdreg $0x0  }
0xa8: {  	s5 =	sshll.u32 s28, $0x1;
	[dreg:$0x2] =	wrdreg s3  }
0xa9: {  	[dreg:$0x3] =	wrdreg s5  }
0xaa: {  	[dreg:$0x4] =	wrdreg $0xC0  }
0xab: {  	_ =	task [dreg:s7], $0x5FFFF  }
0xac: {  	[dreg:$0x1] =	wrdreg $0xFFFFFFFF  }
0xad: {  	[dreg:$0x0] =	wrdreg $0x60  }
0xae: {  	[dreg:$0x2] =	wrdreg s24  }
0xaf: {  	[dreg:$0x3] =	wrdreg s2  }
0xb0: {  	[dreg:$0x4] =	wrdreg $0x101000  }
0xb1: {  	[dreg:$0x5] =	wrdreg $0x63000  }
0xb2: {  	[dreg:$0x6] =	wrdreg $0x9  }
0xb3: {  	_ =	task.clear_ibuf [dreg:s7], $0x7FFFF;
	_ =	strace $0x90000046  }
0xb4: {  	s29 =	simm.s32 $0x9;
	_ =	strace $0x80000048  }
0xb5: {  	_ =	swait.ge [sflag:s29], $0x1  }
0xb6: {  	[sflag:s29] =	ssyncadd.s32 $0xFFFFFFFF  }
0xb7: {  	_ =	strace $0x90000048  }
0xb8: {  	_ =	sfence  }
0xb9: {  	s30 =	sld [smem:$0x0];
	_ =	sdelay $0x2  }
0xba: {  	s31 =	sshll.u32 s1, $0xD;
	s1 =	sshrl.u32 s1, $0x2  }
0xbb: {  	s3 =	sand.u32 $0x4000, s31;
	s1 =	sadd.s32 s1, s30  }
0xbc: {  	s0 =	sor.u32 s3, s0;
	s1 =	sshll.u32 s1, $0x11  }
0xbd: {  	s0 =	sor.u32 s1, s0  }
0xbe: {  	s0 =	sadd.s32 $0x8F2B, s0  }
0xbf: {  	[sflag:s0] =	ssyncadd.remote.s32 $0x1  }
0xc0: {  	_ =	sfence.sel $0xFFFF  }
0xc1: {  	[dreg:$0x0] =	wrdreg $0xFFFFFFFF;
	(pc) =	sbr.abs _section_cstart, $3  }
0xc2: {  	[dreg:$0x1] =	wrdreg $0xFFFFFFFF  }
0xc3: {  	_ =	task.clear_ibuf [dreg:s7], $0x2FFFF;
	_ =	strace $0x9FFFFFFF  }
0xc4: {  	(tm) =	ssettm $0x7FFFFFFF  }
0xc5: {  	_ =	shalt  }
tec
execute0_lowered:
.L_overlay_start_1:
0x0: {  	(tag) =	ssettag $0x1  }
0x1: {  	s0 =	rddreg [dreg:$0x0]  }
0x2: {  	s1 =	rddreg [dreg:$0x1]  }
0x3: {  	s3 =	rddreg [dreg:$0x2]  }
0x4: {  	s2 =	srdreg.scid;
	s16 =	stileid.u32  }
0x5: {  	s4 =	rddreg [dreg:$0x3];
	s10 =	smul.u32 $0x9E00, s16  }
0x6: {  	s5 =	simm.s32 $0x0;
	s31 =	simm.s32 $0x2300;
	s6 =	smul.u32 $0x4F00, s16  }
0x7: {  	s2 =	sand.u32 $0x1, s2;
	[smem:$0x7FF] =	sst s5;
	s15 =	smul.u32 $0x27800, s16  }
0x8: {  	s7 =	sadd.s32 $0x9E00, s0;
	s8 =	sadd.s32 $0x13C00, s0;
	s19 =	smul.u32 $0x9E0, s16  }
0x9: {  	s14 =	sshll.u32 s16, $0x6;
	p0 =	seq.s32 s16, $0xF;
	s9 =	smul.u32 $0x9E000, s2  }
0xa: {  	_ =	strace $0x80000047;
	s11 =	smul.u32 $0x4E200, s2;
	s2 =	ssub.s32 $0x2, s2  }
0xb: {  	s18 =	sor.u32 $0x1C08, s14;
	s14 =	simm.s32 $0x180;
	s12 =	sshrl.u32 s2, $0x1  }
0xc: {  	s26 =	sadd.s32 $0x4100, s6;
	s28 =	sshrl.u32 s15, $0x2;
	s29 =	sshrl.u32 s6, $0x3  }
0xd: {  	s22 =	sadd.s32 s0, s19;
	s19 =	simm.s32 $0x4;
	[dreg:$0x6] =	wrdreg s18  }
0xe: {  	s9 =	sadd.s32 s10, s9;
	s13 =	sadd.s32 s6, s11;
	s2 =	ssub.s32 s2, s12  }
0xf: {  	s11 =	sadd.s32 s11, s26;
	s15 =	sadd.s32 s28, s4;
	s30 =	sor.u32 $0x10, s29  }
0x10: {  	s20 =	sadd.s32 s7, s29;
	[dreg:$0xd] =	wrdreg s22;
	s23 =	sadd.s32 $0x10, s22  }
0x11: {  	s22 =	simm.s32 $0x8;
	s9 =	sshrl.u32 s9, $0x3;
	[dreg:$0xa] =	wrdreg s20  }
0x12: {  	s25 =	sshrl.u32 s13, $0x3;
	s13 =	sadd.s32 s6, s3;
	[dreg:$0xf] =	wrdreg s23  }
0x13: {  	s11 =	sshrl.u32 s11, $0x3;
	s17 =	sadd.s32 $0x8000, s15;
	[dreg:$0x8] =	wrdreg s15  }
0x14: {  	s21 =	sadd.s32 s7, s30;
	s2 =	smax.u32 s2, $0x1;
	[dreg:$0x9] =	wrdreg s17  }
0x15: {  	s28 =	sadd.s32 $0x2000, s15;
	s20 =	simm.s32 $0x2;
	[dreg:$0xb] =	wrdreg s21  }
0x16: {  	s9 =	sadd.s32 s9, s0;
	s12 =	sadd.s32 s1, s25;
	[dreg:$0x11] =	wrdreg s2  }
0x17: {  	s1 =	sadd.s32 s1, s11;
	s11 =	sadd.s32 s8, s29;
	[dreg:$0x15] =	wrdreg s28  }
0x18: {  	s17 =	smul.u32 $0x9E, s16;
	s25 =	sadd.s32 s10, s4;
	[dreg:$0x5] =	wrdreg s12  }
0x19: {  	s29 =	sadd.s32 $0x4000, s15;
	s16 =	simm.s32 $0x1;
	[dreg:$0x7] =	wrdreg s1  }
0x1a: {  	s21 =	simm.s32 $0x5;
	s12 =	sadd.s32 s26, s3;
	[dreg:$0xc] =	wrdreg s11  }
0x1b: {  	s1 =	sadd.s32 s8, s30;
	s24 =	sadd.s32 $0x1DA00, s9;
	[dreg:$0x16] =	wrdreg s29  }
0x1c: {  	s26 =	sshrl.u32 s13, $0x3;
	s30 =	sadd.s32 $0x6000, s15;
	[dreg:$0xe] =	wrdreg s1  }
.Ltmp0:
0x1d: {  	s9 =	simm.s32 $0x200;
	[dreg:$0x10] =	wrdreg s24;
	(pc) =	sbr.rel .LBB2_1-.Ltmp0, $4  }
0x1e: {  	s11 =	simm.s32 $0x100;
	s13 =	simm.s32 $0x280;
	[dreg:$0x12] =	wrdreg s26  }
0x1f: {  	s2 =	sshrl.u32 @!p0 s12, $0x3;
	s1 =	sshrl.u32 s25, $0x3;
	[dreg:$0x17] =	wrdreg s30  }
0x20: {  	v1 =	vimm.s32 $0x0;
	vm0 =	vcmask $0x300;
	s12 =	simm.s32 $0x0;
	s26 =	simm.s32 $0x0;
	[dreg:$0x13] =	wrdreg s2  }
0x21: {  	v0 =	vimm.f32 $0.0e+00;
	v1 =	vsel vm0, $0x3, v1;
	[dreg:$0x14] =	wrdreg s1;
	s1 =	simm.s32 $0x3;
	s2 =	simm.s32 $0x80  }
.LBB2_10:
0x22: {  	s10 =	simm.s32 $0x6  }
0x23: {  	_ =	swait.ge [sflag:s10], $0x2000  }
0x24: {  	[sflag:s10] =	ssyncset.done $0x0  }
0x25: {  	s25 =	simm.s32 $0x7;
	[sflag:s10] =	ssyncadd.s32 $0xFFFFE000  }
0x26: {  	_ =	swait.ge [sflag:s25], $0x2000  }
0x27: {  	[sflag:s25] =	ssyncset.done $0x0  }
0x28: {  	[sflag:s25] =	ssyncadd.s32 $0xFFFFE000  }
0x29: {  	[bflag:$0x0] =	sbarrier.arrive $0xFFFF  }
0x2a: {  	s18 =	rddreg [dreg:$0x6]  }
0x2b: {  	s28 =	rddreg [dreg:$0x10]  }
0x2c: {  	s22 =	simm.s32 $0x8;
	s12 =	rddreg [dreg:$0x14]  }
0x2d: {  	[hbm:s28], [sflag:s18] =	dma.local [spmem:s12], $0x13C0  }
0x2e: {  	_ =	swait.ge [sflag:s22], $0x13C0  }
0x2f: {  	s29 =	rddreg [dreg:$0x18]  }
0x30: {  	s30 =	rddreg [dreg:$0x11];
	s12 =	sadd.s32 $0x1, s29  }
0x31: {  	p1 =	sne.s32 s12, s30  }
.Ltmp1:
0x32: {  	_ = 	snop;
	(pc) =	sbr.rel @!p1 .LBB2_11-.Ltmp1, $3  }
0x33: {  	_ =	sdelay $0x1  }
0x34: {  	[sflag:s22] =	ssyncset.done $0x0  }
0x35: {  	[sflag:s22] =	ssyncadd.s32 $0xFFFFEC40  }
.LBB2_1:
0x36: {  	[dreg:$0x18] =	wrdreg s12  }
0x37: {  	s10 =	rddreg [dreg:$0x5]  }
0x38: {  	s30 =	rddreg [dreg:$0x12]  }
0x39: {  	[spmem:s30], [sflag:s18] =	dma.local [hbm:s10], $0x820  }
0x3a: {  	_ =	swait.ge [sflag:s22], $0x820  }
0x3b: {  	[sflag:s22] =	ssyncset.done $0x0;
	s10 =	rddreg [dreg:$0x7]  }
0x3c: {  	s12 =	rddreg [dreg:$0x13];
	[sflag:s22] =	ssyncadd.s32 $0xFFFFF7E0  }
0x3d: {  	[spmem:s12], [sflag:s18] =	dma.local @!p0 [hbm:s10], $0x1C0  }
0x3e: {  	s10 =	simm.s32 @!p0 $0x8  }
0x3f: {  	_ =	swait.ge @!p0 [sflag:s10], $0x1C0  }
0x40: {  	[sflag:s10] =	ssyncset.done @!p0 $0x0  }
0x41: {  	s12 =	simm.s32 $0x100;
	[sflag:s10] =	ssyncadd.s32 @!p0 $0xFFFFFE40;
	s10 =	simm.s32 $0x0  }
.LBB2_2:
0x42: {  	p1 =	sne.s32 s12, $0x7F00;
	[tilespmem:s10+$0x2330] =	vst v0;
	s15 =	smov.u32 s12;
	s12 =	sadd.s32 $0x100, s12  }
.Ltmp2:
0x43: {  	[tilespmem:s10+$0x2320] =	vst v0;
	(pc) =	sbr.rel @p1 .LBB2_2-.Ltmp2, $3  }
0x44: {  	[tilespmem:s10+$0x2300] =	vst v0  }
0x45: {  	[tilespmem:s10+$0x2310] =	vst v0;
	_ =	sdelay $0x1  }
0x46: {  	s10 =	sshra.s32 s15, $0x2  }
0x47: {  	[tilespmem:s10+$0x2330] =	vst v0  }
0x48: {  	[tilespmem:s10+$0x2320] =	vst v0  }
0x49: {  	[tilespmem:s10+$0x2300] =	vst v0  }
0x4a: {  	[tilespmem:s10+$0x2310] =	vst v0;
	s24 =	rddreg [dreg:$0x8]  }
0x4b: {  	[spmem:s24] =	stream.linear.scatter [tilespmem:s31], [sflag:$0x8], $0x2000, $0x38;
	[tilespmem:$0x14F20] =	vst v63  }
0x4c: {  	_ =	swait.ge [sflag:s22], $0x2000  }
0x4d: {  	[sflag:s22] =	ssyncset.done $0x0  }
0x4e: {  	s25 =	rddreg [dreg:$0x15];
	[sflag:s22] =	ssyncadd.s32 $0xFFFFE000  }
0x4f: {  	[spmem:s25] =	stream.linear.scatter [tilespmem:s31], [sflag:$0x8], $0x2000, $0x38;
	[tilespmem:$0x14F20] =	vst v63  }
0x50: {  	_ =	swait.ge [sflag:s22], $0x2000  }
0x51: {  	[sflag:s22] =	ssyncset.done $0x0  }
0x52: {  	s29 =	rddreg [dreg:$0x16];
	[sflag:s22] =	ssyncadd.s32 $0xFFFFE000  }
0x53: {  	[spmem:s29] =	stream.linear.scatter [tilespmem:s31], [sflag:$0x8], $0x2000, $0x38;
	[tilespmem:$0x14F20] =	vst v63  }
0x54: {  	_ =	swait.ge [sflag:s22], $0x2000  }
0x55: {  	[sflag:s22] =	ssyncset.done $0x0  }
0x56: {  	s30 =	rddreg [dreg:$0x17];
	[sflag:s22] =	ssyncadd.s32 $0xFFFFE000  }
0x57: {  	[spmem:s30] =	stream.linear.scatter [tilespmem:s31], [sflag:$0x8], $0x2000, $0x38;
	[tilespmem:$0x14F20] =	vst v63  }
0x58: {  	_ =	swait.ge [sflag:s22], $0x2000  }
0x59: {  	[sflag:s22] =	ssyncset.done $0x0  }
0x5a: {  	s12 =	rddreg [dreg:$0x9];
	[sflag:s22] =	ssyncadd.s32 $0xFFFFE000  }
0x5b: {  	[spmem:s12] =	stream.linear.scatter [tilespmem:s31], [sflag:$0x8], $0x1E00, $0x38;
	[tilespmem:$0x14F20] =	vst v63  }
0x5c: {  	_ =	swait.ge [sflag:s22], $0x1E00  }
0x5d: {  	[sflag:s22] =	ssyncset.done $0x0  }
0x5e: {  	s15 =	rddreg [dreg:$0xa];
	[sflag:s22] =	ssyncadd.s32 $0xFFFFE200  }
0x5f: {  	[tilespmem:s26], [sflag:$0x3] =	stream.linear.gather [hbm4b:s15+s26], $0x80, $0x38;
	[tilespmem:$0x14F20] =	vst v63  }
0x60: {  	_ =	swait.ge [sflag:s1], $0x80  }
0x61: {  	[sflag:s1] =	ssyncset.done $0x0  }
0x62: {  	s18 =	rddreg [dreg:$0xb];
	[sflag:s1] =	ssyncadd.s32 $0xFFFFFF80  }
0x63: {  	[tilespmem:s2], [sflag:$0x3] =	stream.linear.gather [hbm4b:s18+s26], $0x80, $0x38;
	[tilespmem:$0x14F20] =	vst v63  }
0x64: {  	s22 =	rddreg [dreg:$0xc]  }
0x65: {  	[tilespmem:s9], [sflag:$0x4] =	stream.linear.gather [hbm4b:s22+s26], $0x80, $0x38;
	[tilespmem:$0x14F20] =	vst v63  }
0x66: {  	s23 =	rddreg [dreg:$0xd]  }
0x67: {  	[tilespmem:s11], [sflag:$0x4] =	stream.linear.gather [hbm4b:s23+s26], $0x80, $0x38;
	[tilespmem:$0x14F20] =	vst v63  }
0x68: {  	s24 =	rddreg [dreg:$0xe]  }
0x69: {  	[tilespmem:s13], [sflag:$0x5] =	stream.linear.gather [hbm4b:s24+s26], $0x80, $0x38;
	[tilespmem:$0x14F20] =	vst v63  }
0x6a: {  	s25 =	rddreg [dreg:$0xf]  }
0x6b: {  	[tilespmem:s14], [sflag:$0x5] =	stream.linear.gather [hbm4b:s25+s26], $0x80, $0x38;
	[tilespmem:$0x14F20] =	vst v63  }
0x6c: {  	s29 =	simm.s32 $0x300;
	[bflag:$0x0] =	sbarrier.arrive $0xFFFF  }
0x6d: {  	[tilespmem:s29], [sflag:$0x1] =	stream.indirect.gather [spmem:s3], $0x20, s26, s2, $0xb8;
	[tilespmem:$0x14F20] =	vst v63  }
0x6e: {  	_ =	swait.ge [sflag:s1], $0x80  }
0x6f: {  	[sflag:s1] =	ssyncset.done $0x0  }
0x70: {  	s28 =	simm.s32 $0x0;
	s30 =	simm.s32 $0x1300;
	[sflag:s1] =	ssyncadd.s32 $0xFFFFFF80  }
0x71: {  	[tilespmem:s30], [sflag:$0x2] =	stream.indirect.gather [spmem:s3], $0x20, s2, s2, $0xb8;
	[tilespmem:$0x14F20] =	vst v63  }
.LBB2_4:
0x72: {  	s29 =	sshll.u32 s28, $0x1  }
0x73: {  	p1 =	seq.s32 s28, $0x4E;
	s18 =	sadd.s32 $0x2, s29  }
0x74: {  	s10 =	sshll.u32 @!p1 s18, $0x7  }
0x75: {  	_ =	swait.ge [sflag:s16], $0x1000;
	s10 =	sadd.s32 @!p1 s6, s10  }
0x76: {  	[sflag:s16] =	ssyncset.done $0x0;
	s12 =	sshrl.u32 @!p1 s10, $0x3  }
0x77: {  	s15 =	simm.s32 @!p1 $0x0;
	[sflag:s16] =	ssyncadd.s32 $0xFFFFF000;
	s10 =	sadd.s32 @!p1 s7, s12  }
0x78: {  	[tilespmem:s15], [sflag:$0x3] =	stream.linear.gather @!p1 [hbm4b:s10+s15], $0x80, $0x38;
	[tilespmem:$0x14F20] =	vst v63  }
0x79: {  	v2 =	vmov s26;
	_ =	swait.ge [sflag:s19], $0x80  }
0x7a: {  	v2 =	vshrl.u32 v2, $0x3;
	[sflag:s19] =	ssyncset.done $0x0  }
0x7b: {  	v2 =	vshll.u32 v2, v1;
	[sflag:s19] =	ssyncadd.s32 $0xFFFFFF80  }
0x7c: {  	v2 =	vbroadcast v2, $0x0;
	_ =	swait.ge [sflag:s19], $0x80  }
0x7d: {  	p2 =	seq.s32 s28, $0x0;
	[sflag:s19] =	ssyncset.done $0x0  }
0x7e: {  	s10 =	simm.s32 @!p2 $0x6;
	[sflag:s19] =	ssyncadd.s32 $0xFFFFFF80  }
0x7f: {  	_ =	swait.ge @!p2 [sflag:s10], $0x2000  }
0x80: {  	[sflag:s10] =	ssyncset.done @!p2 $0x0  }
0x81: {  	[sflag:s10] =	ssyncadd.s32 @!p2 $0xFFFFE000  }
0x82: {  	s23 =	simm.s32 $0x380;
	v2 =	vld.idx.msk [tilespmem:v2+s9+$0x0], $0xffff  }
0x83: {  	v3 =	vld [tilespmem:s23+$0xFFFFFF80];
	_ =	sdelay $0x3  }
0x84: {  	v2 =	vpack.i.f32.bf16 v2, v2  }
0x85: {  	v3 =	vmul.bf16 v3, v2;
	_ =	sdelay $0x1  }
0x86: {  	s24 =	simm.s32 $0x2400;
	v4 =	vunpack.i.l.bf16.f32 v3  }
0x87: {  	v3 =	vunpack.i.u.bf16.f32 v3;
	[tilespmem:s24+$0xFFFFFF00] =	vst v4  }
0x88: {  	s25 =	simm.s32 $0x1;
	[tilespmem:s24+$0xFFFFFF10] =	vst v3  }
0x89: {  	v4 =	vmov s25;
	v3 =	vld [tilespmem:s23+$0xFFFFFF90]  }
0x8a: {  	v4 =	vshrl.u32 v4, $0x3  }
0x8b: {  	v4 =	vshll.u32 v4, v1  }
0x8c: {  	v4 =	vadd.s32 $0x1, v4  }
0x8d: {  	v4 =	vbroadcast v4, $0x0  }
0x8e: {  	v2 =	vmul.bf16 v3, v2;
	_ =	sdelay $0x1  }
0x8f: {  	v3 =	vunpack.i.l.bf16.f32 v2  }
0x90: {  	v2 =	vunpack.i.u.bf16.f32 v2;
	[tilespmem:s24+$0xFFFFFF20] =	vst v3  }
0x91: {  	[tilespmem:s24+$0xFFFFFF30] =	vst v2  }
0x92: {  	v2 =	vld.idx.msk [tilespmem:v4+s9+$0x0], $0xffff  }
0x93: {  	v3 =	vld [tilespmem:s23+$0xFFFFFFA0];
	_ =	sdelay $0x3  }
0x94: {  	v2 =	vpack.i.f32.bf16 v2, v2  }
0x95: {  	v3 =	vmul.bf16 v3, v2;
	_ =	sdelay $0x1  }
0x96: {  	v4 =	vunpack.i.l.bf16.f32 v3  }
0x97: {  	v3 =	vunpack.i.u.bf16.f32 v3;
	[tilespmem:s24+$0xFFFFFF40] =	vst v4  }
0x98: {  	s15 =	simm.s32 $0x2;
	[tilespmem:s24+$0xFFFFFF50] =	vst v3  }
0x99: {  	v4 =	vmov s15;
	v3 =	vld [tilespmem:s23+$0xFFFFFFB0]  }
0x9a: {  	v4 =	vshrl.u32 v4, $0x3  }
0x9b: {  	v4 =	vshll.u32 v4, v1  }
0x9c: {  	v4 =	vadd.s32 $0x2, v4  }
0x9d: {  	v4 =	vbroadcast v4, $0x0  }
0x9e: {  	v2 =	vmul.bf16 v3, v2;
	_ =	sdelay $0x1  }
0x9f: {  	v3 =	vunpack.i.l.bf16.f32 v2  }
0xa0: {  	v2 =	vunpack.i.u.bf16.f32 v2;
	[tilespmem:s24+$0xFFFFFF60] =	vst v3  }
0xa1: {  	[tilespmem:s24+$0xFFFFFF70] =	vst v2  }
0xa2: {  	v2 =	vld.idx.msk [tilespmem:v4+s9+$0x0], $0xffff  }
0xa3: {  	v3 =	vld [tilespmem:s23+$0xFFFFFFC0];
	_ =	sdelay $0x3  }
0xa4: {  	v2 =	vpack.i.f32.bf16 v2, v2  }
0xa5: {  	v3 =	vmul.bf16 v3, v2;
	_ =	sdelay $0x1  }
0xa6: {  	v4 =	vunpack.i.l.bf16.f32 v3  }
0xa7: {  	v3 =	vunpack.i.u.bf16.f32 v3;
	[tilespmem:s24+$0xFFFFFF80] =	vst v4  }
0xa8: {  	s22 =	simm.s32 $0x3;
	[tilespmem:s24+$0xFFFFFF90] =	vst v3  }
0xa9: {  	v4 =	vmov s22;
	v3 =	vld [tilespmem:s23+$0xFFFFFFD0]  }
0xaa: {  	v4 =	vshrl.u32 v4, $0x3  }
0xab: {  	v4 =	vshll.u32 v4, v1  }
0xac: {  	v4 =	vadd.s32 $0x3, v4  }
0xad: {  	v4 =	vbroadcast v4, $0x0  }
0xae: {  	v2 =	vmul.bf16 v3, v2;
	_ =	sdelay $0x1  }
0xaf: {  	v3 =	vunpack.i.l.bf16.f32 v2  }
0xb0: {  	v2 =	vunpack.i.u.bf16.f32 v2;
	[tilespmem:s24+$0xFFFFFFA0] =	vst v3  }
0xb1: {  	[tilespmem:s24+$0xFFFFFFB0] =	vst v2  }
0xb2: {  	v2 =	vld.idx.msk [tilespmem:v4+s9+$0x0], $0xffff  }
0xb3: {  	v3 =	vld [tilespmem:s23+$0xFFFFFFE0];
	_ =	sdelay $0x3  }
0xb4: {  	v2 =	vpack.i.f32.bf16 v2, v2  }
0xb5: {  	v3 =	vmul.bf16 v3, v2;
	_ =	sdelay $0x1  }
0xb6: {  	v4 =	vunpack.i.l.bf16.f32 v3  }
0xb7: {  	v3 =	vunpack.i.u.bf16.f32 v3;
	[tilespmem:s24+$0xFFFFFFC0] =	vst v4  }
0xb8: {  	s25 =	simm.s32 $0x4;
	[tilespmem:s24+$0xFFFFFFD0] =	vst v3  }
0xb9: {  	v4 =	vmov s25;
	v3 =	vld [tilespmem:s23+$0xFFFFFFF0]  }
0xba: {  	v4 =	vshrl.u32 v4, $0x3  }
0xbb: {  	v4 =	vshll.u32 v4, v1  }
0xbc: {  	v4 =	vadd.s32 $0x4, v4  }
0xbd: {  	v4 =	vbroadcast v4, $0x0  }
0xbe: {  	v2 =	vmul.bf16 v3, v2;
	_ =	sdelay $0x1  }
0xbf: {  	v3 =	vunpack.i.l.bf16.f32 v2  }
0xc0: {  	v2 =	vunpack.i.u.bf16.f32 v2;
	[tilespmem:s24+$0xFFFFFFE0] =	vst v3  }
0xc1: {  	[tilespmem:s24+$0xFFFFFFF0] =	vst v2  }
0xc2: {  	v2 =	vld.idx.msk [tilespmem:v4+s9+$0x0], $0xffff  }
0xc3: {  	v3 =	vld [tilespmem:s23+$0x0];
	_ =	sdelay $0x3  }
0xc4: {  	v2 =	vpack.i.f32.bf16 v2, v2  }
0xc5: {  	v3 =	vmul.bf16 v3, v2;
	_ =	sdelay $0x1  }
0xc6: {  	v4 =	vunpack.i.l.bf16.f32 v3  }
0xc7: {  	v3 =	vunpack.i.u.bf16.f32 v3;
	[tilespmem:s24+$0x0] =	vst v4  }
0xc8: {  	s15 =	simm.s32 $0x5;
	[tilespmem:s24+$0x10] =	vst v3  }
0xc9: {  	v4 =	vmov s15;
	v3 =	vld [tilespmem:s23+$0x10]  }
0xca: {  	v4 =	vshrl.u32 v4, $0x3  }
0xcb: {  	v4 =	vshll.u32 v4, v1  }
0xcc: {  	v4 =	vadd.s32 $0x5, v4  }
0xcd: {  	v4 =	vbroadcast v4, $0x0  }
0xce: {  	v2 =	vmul.bf16 v3, v2;
	_ =	sdelay $0x1  }
0xcf: {  	v3 =	vunpack.i.l.bf16.f32 v2  }
0xd0: {  	v2 =	vunpack.i.u.bf16.f32 v2;
	[tilespmem:s24+$0x20] =	vst v3  }
0xd1: {  	[tilespmem:s24+$0x30] =	vst v2  }
0xd2: {  	v2 =	vld.idx.msk [tilespmem:v4+s9+$0x0], $0xffff  }
0xd3: {  	v3 =	vld [tilespmem:s23+$0x20];
	_ =	sdelay $0x3  }
0xd4: {  	v2 =	vpack.i.f32.bf16 v2, v2  }
0xd5: {  	v3 =	vmul.bf16 v3, v2;
	_ =	sdelay $0x1  }
0xd6: {  	v4 =	vunpack.i.l.bf16.f32 v3  }
0xd7: {  	v3 =	vunpack.i.u.bf16.f32 v3;
	[tilespmem:s24+$0x40] =	vst v4  }
0xd8: {  	s22 =	simm.s32 $0x6;
	[tilespmem:s24+$0x50] =	vst v3  }
0xd9: {  	v4 =	vmov s22;
	v3 =	vld [tilespmem:s23+$0x30]  }
0xda: {  	v4 =	vshrl.u32 v4, $0x3  }
0xdb: {  	v4 =	vshll.u32 v4, v1  }
0xdc: {  	v4 =	vadd.s32 $0x6, v4  }
0xdd: {  	v4 =	vbroadcast v4, $0x0  }
0xde: {  	v2 =	vmul.bf16 v3, v2;
	_ =	sdelay $0x1  }
0xdf: {  	v3 =	vunpack.i.l.bf16.f32 v2  }
0xe0: {  	v2 =	vunpack.i.u.bf16.f32 v2;
	[tilespmem:s24+$0x60] =	vst v3  }
0xe1: {  	[tilespmem:s24+$0x70] =	vst v2  }
0xe2: {  	v2 =	vld.idx.msk [tilespmem:v4+s9+$0x0], $0xffff  }
0xe3: {  	v3 =	vld [tilespmem:s23+$0x40];
	_ =	sdelay $0x3  }
0xe4: {  	v2 =	vpack.i.f32.bf16 v2, v2  }
0xe5: {  	v3 =	vmul.bf16 v3, v2;
	_ =	sdelay $0x1  }
0xe6: {  	v4 =	vunpack.i.l.bf16.f32 v3  }
0xe7: {  	v3 =	vunpack.i.u.bf16.f32 v3;
	[tilespmem:s24+$0x80] =	vst v4  }
0xe8: {  	s25 =	simm.s32 $0x7;
	[tilespmem:s24+$0x90] =	vst v3  }
0xe9: {  	v4 =	vmov s25;
	v3 =	vld [tilespmem:s23+$0x50]  }
0xea: {  	v4 =	vshrl.u32 v4, $0x3  }
0xeb: {  	v4 =	vshll.u32 v4, v1  }
0xec: {  	v4 =	vadd.s32 $0x7, v4  }
0xed: {  	v4 =	vbroadcast v4, $0x0  }
0xee: {  	v2 =	vmul.bf16 v3, v2;
	_ =	sdelay $0x1  }
0xef: {  	v3 =	vunpack.i.l.bf16.f32 v2  }
0xf0: {  	v2 =	vunpack.i.u.bf16.f32 v2;
	[tilespmem:s24+$0xA0] =	vst v3  }
0xf1: {  	[tilespmem:s24+$0xB0] =	vst v2  }
0xf2: {  	v3 =	vld.idx.msk [tilespmem:v4+s9+$0x0], $0xffff  }
0xf3: {  	s30 =	simm.s32 $0x8;
	s10 =	simm.s32 $0x2400;
	s25 =	simm.s32 $0x380;
	v2 =	vld [tilespmem:s23+$0x60]  }
.LBB2_5:
0xf4: {  	_ =	sdelay $0x1  }
0xf5: {  	p3 =	slt.u32 s30, $0x78;
	s23 =	sadd.s32 $0x100, s23;
	s24 =	sadd.s32 $0x200, s24  }
0xf6: {  	s15 =	smov.u32 s30;
	s30 =	sadd.s32 $0x8, s30;
	v3 =	vpack.i.f32.bf16 v3, v3  }
0xf7: {  	v2 =	vmul.bf16 v2, v3;
	_ =	sdelay $0x1  }
0xf8: {  	v4 =	vunpack.i.u.bf16.f32 v2;
	v2 =	vunpack.i.l.bf16.f32 v2  }
0xf9: {  	[tilespmem:s10+$0xC0] =	vst v2  }
0xfa: {  	[tilespmem:s10+$0xD0] =	vst v4  }
0xfb: {  	v2 =	vld [tilespmem:s25+$0x70];
	s25 =	smov.u32 s23  }
0xfc: {  	v4 =	vmov s15  }
0xfd: {  	v4 =	vshrl.u32 v4, $0x3  }
0xfe: {  	v4 =	vshll.u32 v4, v1  }
0xff: {  	v4 =	vbroadcast v4, $0x0  }
0x100: {  	v2 =	vmul.bf16 v2, v3;
	_ =	sdelay $0x1  }
0x101: {  	v3 =	vunpack.i.u.bf16.f32 v2;
	v2 =	vunpack.i.l.bf16.f32 v2  }
0x102: {  	[tilespmem:s10+$0xE0] =	vst v2  }
0x103: {  	[tilespmem:s10+$0xF0] =	vst v3;
	s10 =	smov.u32 s24  }
0x104: {  	v2 =	vld.idx.msk [tilespmem:v4+s9+$0x0], $0xffff;
	_ =	sdelay $0x1  }
0x105: {  	v3 =	vld [tilespmem:s23+$0xFFFFFF80];
	_ =	sdelay $0x3  }
0x106: {  	v2 =	vpack.i.f32.bf16 v2, v2  }
0x107: {  	v3 =	vmul.bf16 v3, v2;
	_ =	sdelay $0x1  }
0x108: {  	v4 =	vunpack.i.u.bf16.f32 v3;
	v3 =	vunpack.i.l.bf16.f32 v3  }
0x109: {  	[tilespmem:s24+$0xFFFFFF00] =	vst v3  }
0x10a: {  	s22 =	sadd.s32 $0x1, s15;
	[tilespmem:s24+$0xFFFFFF10] =	vst v4  }
0x10b: {  	v4 =	vmov s22;
	v3 =	vld [tilespmem:s23+$0xFFFFFF90]  }
0x10c: {  	v4 =	vshrl.u32 v4, $0x3  }
0x10d: {  	v4 =	vshll.u32 v4, v1  }
0x10e: {  	v4 =	vadd.s32 $0x1, v4  }
0x10f: {  	v4 =	vbroadcast v4, $0x0  }
0x110: {  	v2 =	vmul.bf16 v3, v2;
	_ =	sdelay $0x1  }
0x111: {  	v3 =	vunpack.i.u.bf16.f32 v2;
	v2 =	vunpack.i.l.bf16.f32 v2  }
0x112: {  	[tilespmem:s24+$0xFFFFFF20] =	vst v2  }
0x113: {  	[tilespmem:s24+$0xFFFFFF30] =	vst v3  }
0x114: {  	v2 =	vld.idx.msk [tilespmem:v4+s9+$0x0], $0xffff;
	_ =	sdelay $0x1  }
0x115: {  	v3 =	vld [tilespmem:s23+$0xFFFFFFA0];
	_ =	sdelay $0x3  }
0x116: {  	v2 =	vpack.i.f32.bf16 v2, v2  }
0x117: {  	v3 =	vmul.bf16 v3, v2;
	_ =	sdelay $0x1  }
0x118: {  	v4 =	vunpack.i.u.bf16.f32 v3;
	v3 =	vunpack.i.l.bf16.f32 v3  }
0x119: {  	[tilespmem:s24+$0xFFFFFF40] =	vst v3  }
0x11a: {  	s22 =	sadd.s32 $0x2, s15;
	[tilespmem:s24+$0xFFFFFF50] =	vst v4  }
0x11b: {  	v4 =	vmov s22;
	v3 =	vld [tilespmem:s23+$0xFFFFFFB0]  }
0x11c: {  	v4 =	vshrl.u32 v4, $0x3  }
0x11d: {  	v4 =	vshll.u32 v4, v1  }
0x11e: {  	v4 =	vadd.s32 $0x2, v4  }
0x11f: {  	v4 =	vbroadcast v4, $0x0  }
0x120: {  	v2 =	vmul.bf16 v3, v2;
	_ =	sdelay $0x1  }
0x121: {  	v3 =	vunpack.i.u.bf16.f32 v2;
	v2 =	vunpack.i.l.bf16.f32 v2  }
0x122: {  	[tilespmem:s24+$0xFFFFFF60] =	vst v2  }
0x123: {  	[tilespmem:s24+$0xFFFFFF70] =	vst v3  }
0x124: {  	v2 =	vld.idx.msk [tilespmem:v4+s9+$0x0], $0xffff;
	_ =	sdelay $0x1  }
0x125: {  	v3 =	vld [tilespmem:s23+$0xFFFFFFC0];
	_ =	sdelay $0x3  }
0x126: {  	v2 =	vpack.i.f32.bf16 v2, v2  }
0x127: {  	v3 =	vmul.bf16 v3, v2;
	_ =	sdelay $0x1  }
0x128: {  	v4 =	vunpack.i.u.bf16.f32 v3;
	v3 =	vunpack.i.l.bf16.f32 v3  }
0x129: {  	[tilespmem:s24+$0xFFFFFF80] =	vst v3  }
0x12a: {  	s22 =	sadd.s32 $0x3, s15;
	[tilespmem:s24+$0xFFFFFF90] =	vst v4  }
0x12b: {  	v4 =	vmov s22;
	v3 =	vld [tilespmem:s23+$0xFFFFFFD0]  }
0x12c: {  	v4 =	vshrl.u32 v4, $0x3  }
0x12d: {  	v4 =	vshll.u32 v4, v1  }
0x12e: {  	v4 =	vadd.s32 $0x3, v4  }
0x12f: {  	v4 =	vbroadcast v4, $0x0  }
0x130: {  	v2 =	vmul.bf16 v3, v2;
	_ =	sdelay $0x1  }
0x131: {  	v3 =	vunpack.i.u.bf16.f32 v2;
	v2 =	vunpack.i.l.bf16.f32 v2  }
0x132: {  	[tilespmem:s24+$0xFFFFFFA0] =	vst v2  }
0x133: {  	[tilespmem:s24+$0xFFFFFFB0] =	vst v3  }
0x134: {  	v2 =	vld.idx.msk [tilespmem:v4+s9+$0x0], $0xffff;
	_ =	sdelay $0x1  }
0x135: {  	v3 =	vld [tilespmem:s23+$0xFFFFFFE0];
	_ =	sdelay $0x3  }
0x136: {  	v2 =	vpack.i.f32.bf16 v2, v2  }
0x137: {  	v3 =	vmul.bf16 v3, v2;
	_ =	sdelay $0x1  }
0x138: {  	v4 =	vunpack.i.u.bf16.f32 v3;
	v3 =	vunpack.i.l.bf16.f32 v3  }
0x139: {  	[tilespmem:s24+$0xFFFFFFC0] =	vst v3  }
0x13a: {  	s22 =	sadd.s32 $0x4, s15;
	[tilespmem:s24+$0xFFFFFFD0] =	vst v4  }
0x13b: {  	v4 =	vmov s22;
	v3 =	vld [tilespmem:s23+$0xFFFFFFF0]  }
0x13c: {  	v4 =	vshrl.u32 v4, $0x3  }
0x13d: {  	v4 =	vshll.u32 v4, v1  }
0x13e: {  	v4 =	vadd.s32 $0x4, v4  }
0x13f: {  	v4 =	vbroadcast v4, $0x0  }
0x140: {  	v2 =	vmul.bf16 v3, v2;
	_ =	sdelay $0x1  }
0x141: {  	v3 =	vunpack.i.u.bf16.f32 v2;
	v2 =	vunpack.i.l.bf16.f32 v2  }
0x142: {  	[tilespmem:s24+$0xFFFFFFE0] =	vst v2  }
0x143: {  	[tilespmem:s24+$0xFFFFFFF0] =	vst v3  }
0x144: {  	v2 =	vld.idx.msk [tilespmem:v4+s9+$0x0], $0xffff;
	_ =	sdelay $0x1  }
0x145: {  	v3 =	vld [tilespmem:s23+$0x0];
	_ =	sdelay $0x3  }
0x146: {  	v2 =	vpack.i.f32.bf16 v2, v2  }
0x147: {  	v3 =	vmul.bf16 v3, v2;
	_ =	sdelay $0x1  }
0x148: {  	v4 =	vunpack.i.u.bf16.f32 v3;
	v3 =	vunpack.i.l.bf16.f32 v3  }
0x149: {  	[tilespmem:s24+$0x0] =	vst v3  }
0x14a: {  	s22 =	sadd.s32 $0x5, s15;
	[tilespmem:s24+$0x10] =	vst v4  }
0x14b: {  	v4 =	vmov s22;
	v3 =	vld [tilespmem:s23+$0x10]  }
0x14c: {  	v4 =	vshrl.u32 v4, $0x3  }
0x14d: {  	v4 =	vshll.u32 v4, v1  }
0x14e: {  	v4 =	vadd.s32 $0x5, v4  }
0x14f: {  	v4 =	vbroadcast v4, $0x0  }
0x150: {  	v2 =	vmul.bf16 v3, v2;
	_ =	sdelay $0x1  }
0x151: {  	v3 =	vunpack.i.u.bf16.f32 v2;
	v2 =	vunpack.i.l.bf16.f32 v2  }
0x152: {  	[tilespmem:s24+$0x20] =	vst v2  }
0x153: {  	[tilespmem:s24+$0x30] =	vst v3  }
0x154: {  	v2 =	vld.idx.msk [tilespmem:v4+s9+$0x0], $0xffff  }
0x155: {  	v3 =	vld [tilespmem:s23+$0x20];
	_ =	sdelay $0x4  }
0x156: {  	v2 =	vpack.i.f32.bf16 v2, v2  }
0x157: {  	v3 =	vmul.bf16 v3, v2;
	_ =	sdelay $0x1  }
0x158: {  	v4 =	vunpack.i.u.bf16.f32 v3;
	v3 =	vunpack.i.l.bf16.f32 v3  }
0x159: {  	[tilespmem:s24+$0x40] =	vst v3  }
0x15a: {  	s22 =	sadd.s32 $0x6, s15;
	[tilespmem:s24+$0x50] =	vst v4  }
0x15b: {  	v4 =	vmov s22;
	v3 =	vld [tilespmem:s23+$0x30]  }
0x15c: {  	v4 =	vshrl.u32 v4, $0x3  }
0x15d: {  	v4 =	vshll.u32 v4, v1  }
0x15e: {  	v4 =	vadd.s32 $0x6, v4  }
0x15f: {  	v4 =	vbroadcast v4, $0x0  }
0x160: {  	v2 =	vmul.bf16 v3, v2;
	_ =	sdelay $0x1  }
0x161: {  	v3 =	vunpack.i.u.bf16.f32 v2;
	v2 =	vunpack.i.l.bf16.f32 v2  }
0x162: {  	[tilespmem:s24+$0x60] =	vst v2  }
0x163: {  	[tilespmem:s24+$0x70] =	vst v3  }
0x164: {  	v2 =	vld.idx.msk [tilespmem:v4+s9+$0x0], $0xffff  }
0x165: {  	v3 =	vld [tilespmem:s23+$0x40];
	_ =	sdelay $0x4  }
0x166: {  	v2 =	vpack.i.f32.bf16 v2, v2  }
0x167: {  	v3 =	vmul.bf16 v3, v2;
	_ =	sdelay $0x1  }
0x168: {  	v4 =	vunpack.i.u.bf16.f32 v3;
	v3 =	vunpack.i.l.bf16.f32 v3  }
0x169: {  	[tilespmem:s24+$0x80] =	vst v3  }
0x16a: {  	s15 =	sadd.s32 $0x7, s15;
	[tilespmem:s24+$0x90] =	vst v4  }
0x16b: {  	v4 =	vmov s15;
	v3 =	vld [tilespmem:s23+$0x50]  }
0x16c: {  	v4 =	vshrl.u32 v4, $0x3  }
0x16d: {  	v4 =	vshll.u32 v4, v1  }
0x16e: {  	v4 =	vadd.s32 $0x7, v4  }
0x16f: {  	v4 =	vbroadcast v4, $0x0  }
0x170: {  	v2 =	vmul.bf16 v3, v2;
	_ =	sdelay $0x1  }
.Ltmp3:
0x171: {  	v3 =	vunpack.i.u.bf16.f32 v2;
	v2 =	vunpack.i.l.bf16.f32 v2;
	(pc) =	sbr.rel @p3 .LBB2_5-.Ltmp3, $4  }
0x172: {  	[tilespmem:s24+$0xA0] =	vst v2  }
0x173: {  	[tilespmem:s24+$0xB0] =	vst v3  }
0x174: {  	v3 =	vld.idx.msk [tilespmem:v4+s9+$0x0], $0xffff  }
0x175: {  	v2 =	vld [tilespmem:s23+$0x60]  }
0x176: {  	_ =	sdelay $0x2  }
0x177: {  	v3 =	vpack.i.f32.bf16 v3, v3  }
0x178: {  	v2 =	vmul.bf16 v2, v3;
	_ =	sdelay $0x1  }
0x179: {  	v4 =	vunpack.i.l.bf16.f32 v2  }
0x17a: {  	v2 =	vunpack.i.u.bf16.f32 v2;
	[tilespmem:s10+$0xC0] =	vst v4  }
0x17b: {  	[tilespmem:s10+$0xD0] =	vst v2  }
0x17c: {  	v2 =	vld [tilespmem:s25+$0x70];
	_ =	sdelay $0x4  }
0x17d: {  	v2 =	vmul.bf16 v2, v3;
	_ =	sdelay $0x1  }
0x17e: {  	v3 =	vunpack.i.l.bf16.f32 v2  }
0x17f: {  	v2 =	vunpack.i.u.bf16.f32 v2;
	[tilespmem:s10+$0xE0] =	vst v3  }
0x180: {  	[tilespmem:s10+$0xF0] =	vst v2  }
0x181: {  	[spmem:s4] =	stream.indirect.scatter.add.f32 [tilespmem:s31], [sflag:$0x6], $0x40, s11, s2, $0xb8;
	[tilespmem:$0x14F20] =	vst v63  }
0x182: {  	s15 =	simm.s32 @!p1 $0x200;
	s10 =	sadd.s32 @!p1 s8, s12;
	s12 =	simm.s32 @!p1 $0x0  }
0x183: {  	[tilespmem:s15], [sflag:$0x4] =	stream.linear.gather @!p1 [hbm4b:s10+s12], $0x80, $0x38;
	[tilespmem:$0x14F20] =	vst v63  }
0x184: {  	s10 =	sadd.s32 @!p1 s17, s18  }
0x185: {  	s10 =	sshll.u32 @!p1 s10, $0x4  }
0x186: {  	s15 =	simm.s32 @!p1 $0x100;
	s10 =	sadd.s32 @!p1 s0, s10  }
0x187: {  	[tilespmem:s15], [sflag:$0x4] =	stream.linear.gather @!p1 [hbm4b:s10+s12], $0x80, $0x38;
	[tilespmem:$0x14F20] =	vst v63  }
0x188: {  	s10 =	simm.s32 @!p1 $0x3  }
0x189: {  	_ =	swait.ge @!p1 [sflag:s10], $0x80  }
0x18a: {  	s29 =	sadd.s32 $0x3, s29;
	[sflag:s10] =	ssyncset.done @!p1 $0x0  }
0x18b: {  	s15 =	simm.s32 @!p1 $0x300;
	[sflag:s10] =	ssyncadd.s32 @!p1 $0xFFFFFF80;
	s10 =	simm.s32 @!p1 $0x80  }
0x18c: {  	[tilespmem:s15], [sflag:$0x1] =	stream.indirect.gather @!p1 [spmem:s3], $0x20, s12, s10, $0xb8;
	[tilespmem:$0x14F20] =	vst v63  }
0x18d: {  	s15 =	sshll.u32 @!p1 s29, $0x7  }
0x18e: {  	_ =	swait.ge [sflag:s20], $0x1000;
	s15 =	sadd.s32 @!p1 s6, s15  }
0x18f: {  	[sflag:s20] =	ssyncset.done $0x0;
	s15 =	sshrl.u32 @!p1 s15, $0x3  }
0x190: {  	s25 =	simm.s32 $0x0;
	[sflag:s20] =	ssyncadd.s32 $0xFFFFF000;
	s15 =	sadd.s32 @!p1 s7, s15  }
0x191: {  	[tilespmem:s10], [sflag:$0x3] =	stream.linear.gather @!p1 [hbm4b:s15+s12], $0x80, $0x38;
	[tilespmem:$0x14F20] =	vst v63  }
0x192: {  	v2 =	vmov s25;
	_ =	swait.ge [sflag:s21], $0x80  }
0x193: {  	v2 =	vshrl.u32 v2, $0x3;
	[sflag:s21] =	ssyncset.done $0x0  }
0x194: {  	v2 =	vshll.u32 v2, v1;
	[sflag:s21] =	ssyncadd.s32 $0xFFFFFF80  }
0x195: {  	v2 =	vbroadcast v2, $0x0;
	_ =	swait.ge [sflag:s21], $0x80  }
0x196: {  	[sflag:s21] =	ssyncset.done $0x0  }
0x197: {  	s10 =	simm.s32 @!p2 $0x7;
	[sflag:s21] =	ssyncadd.s32 $0xFFFFFF80  }
0x198: {  	_ =	swait.ge @!p2 [sflag:s10], $0x2000  }
0x199: {  	[sflag:s10] =	ssyncset.done @!p2 $0x0  }
0x19a: {  	[sflag:s10] =	ssyncadd.s32 @!p2 $0xFFFFE000  }
0x19b: {  	s12 =	simm.s32 $0x1380;
	v2 =	vld.idx.msk [tilespmem:v2+s13+$0x0], $0xffff  }
0x19c: {  	v3 =	vld [tilespmem:s12+$0xFFFFFF80];
	_ =	sdelay $0x3  }
0x19d: {  	v2 =	vpack.i.f32.bf16 v2, v2  }
0x19e: {  	v3 =	vmul.bf16 v3, v2;
	_ =	sdelay $0x1  }
0x19f: {  	s18 =	simm.s32 $0x4400;
	v4 =	vunpack.i.l.bf16.f32 v3  }
0x1a0: {  	v3 =	vunpack.i.u.bf16.f32 v3;
	[tilespmem:s18+$0xFFFFFF00] =	vst v4  }
0x1a1: {  	s30 =	simm.s32 $0x1;
	[tilespmem:s18+$0xFFFFFF10] =	vst v3  }
0x1a2: {  	v4 =	vmov s30;
	v3 =	vld [tilespmem:s12+$0xFFFFFF90]  }
0x1a3: {  	v4 =	vshrl.u32 v4, $0x3  }
0x1a4: {  	v4 =	vshll.u32 v4, v1  }
0x1a5: {  	v4 =	vadd.s32 $0x1, v4  }
0x1a6: {  	v4 =	vbroadcast v4, $0x0  }
0x1a7: {  	v2 =	vmul.bf16 v3, v2;
	_ =	sdelay $0x1  }
0x1a8: {  	v3 =	vunpack.i.l.bf16.f32 v2  }
0x1a9: {  	v2 =	vunpack.i.u.bf16.f32 v2;
	[tilespmem:s18+$0xFFFFFF20] =	vst v3  }
0x1aa: {  	[tilespmem:s18+$0xFFFFFF30] =	vst v2  }
0x1ab: {  	v2 =	vld.idx.msk [tilespmem:v4+s13+$0x0], $0xffff  }
0x1ac: {  	v3 =	vld [tilespmem:s12+$0xFFFFFFA0];
	_ =	sdelay $0x3  }
0x1ad: {  	v2 =	vpack.i.f32.bf16 v2, v2  }
0x1ae: {  	v3 =	vmul.bf16 v3, v2;
	_ =	sdelay $0x1  }
0x1af: {  	v4 =	vunpack.i.l.bf16.f32 v3  }
0x1b0: {  	v3 =	vunpack.i.u.bf16.f32 v3;
	[tilespmem:s18+$0xFFFFFF40] =	vst v4  }
0x1b1: {  	s15 =	simm.s32 $0x2;
	[tilespmem:s18+$0xFFFFFF50] =	vst v3  }
0x1b2: {  	v4 =	vmov s15;
	v3 =	vld [tilespmem:s12+$0xFFFFFFB0]  }
0x1b3: {  	v4 =	vshrl.u32 v4, $0x3  }
0x1b4: {  	v4 =	vshll.u32 v4, v1  }
0x1b5: {  	v4 =	vadd.s32 $0x2, v4  }
0x1b6: {  	v4 =	vbroadcast v4, $0x0  }
0x1b7: {  	v2 =	vmul.bf16 v3, v2;
	_ =	sdelay $0x1  }
0x1b8: {  	v3 =	vunpack.i.l.bf16.f32 v2  }
0x1b9: {  	v2 =	vunpack.i.u.bf16.f32 v2;
	[tilespmem:s18+$0xFFFFFF60] =	vst v3  }
0x1ba: {  	[tilespmem:s18+$0xFFFFFF70] =	vst v2  }
0x1bb: {  	v2 =	vld.idx.msk [tilespmem:v4+s13+$0x0], $0xffff  }
0x1bc: {  	v3 =	vld [tilespmem:s12+$0xFFFFFFC0];
	_ =	sdelay $0x3  }
0x1bd: {  	v2 =	vpack.i.f32.bf16 v2, v2  }
0x1be: {  	v3 =	vmul.bf16 v3, v2;
	_ =	sdelay $0x1  }
0x1bf: {  	v4 =	vunpack.i.l.bf16.f32 v3  }
0x1c0: {  	v3 =	vunpack.i.u.bf16.f32 v3;
	[tilespmem:s18+$0xFFFFFF80] =	vst v4  }
0x1c1: {  	s22 =	simm.s32 $0x3;
	[tilespmem:s18+$0xFFFFFF90] =	vst v3  }
0x1c2: {  	v4 =	vmov s22;
	v3 =	vld [tilespmem:s12+$0xFFFFFFD0]  }
0x1c3: {  	v4 =	vshrl.u32 v4, $0x3  }
0x1c4: {  	v4 =	vshll.u32 v4, v1  }
0x1c5: {  	v4 =	vadd.s32 $0x3, v4  }
0x1c6: {  	v4 =	vbroadcast v4, $0x0  }
0x1c7: {  	v2 =	vmul.bf16 v3, v2;
	_ =	sdelay $0x1  }
0x1c8: {  	v3 =	vunpack.i.l.bf16.f32 v2  }
0x1c9: {  	v2 =	vunpack.i.u.bf16.f32 v2;
	[tilespmem:s18+$0xFFFFFFA0] =	vst v3  }
0x1ca: {  	[tilespmem:s18+$0xFFFFFFB0] =	vst v2  }
0x1cb: {  	v2 =	vld.idx.msk [tilespmem:v4+s13+$0x0], $0xffff  }
0x1cc: {  	v3 =	vld [tilespmem:s12+$0xFFFFFFE0];
	_ =	sdelay $0x3  }
0x1cd: {  	v2 =	vpack.i.f32.bf16 v2, v2  }
0x1ce: {  	v3 =	vmul.bf16 v3, v2;
	_ =	sdelay $0x1  }
0x1cf: {  	v4 =	vunpack.i.l.bf16.f32 v3  }
0x1d0: {  	v3 =	vunpack.i.u.bf16.f32 v3;
	[tilespmem:s18+$0xFFFFFFC0] =	vst v4  }
0x1d1: {  	s23 =	simm.s32 $0x4;
	[tilespmem:s18+$0xFFFFFFD0] =	vst v3  }
0x1d2: {  	v4 =	vmov s23;
	v3 =	vld [tilespmem:s12+$0xFFFFFFF0]  }
0x1d3: {  	v4 =	vshrl.u32 v4, $0x3  }
0x1d4: {  	v4 =	vshll.u32 v4, v1  }
0x1d5: {  	v4 =	vadd.s32 $0x4, v4  }
0x1d6: {  	v4 =	vbroadcast v4, $0x0  }
0x1d7: {  	v2 =	vmul.bf16 v3, v2;
	_ =	sdelay $0x1  }
0x1d8: {  	v3 =	vunpack.i.l.bf16.f32 v2  }
0x1d9: {  	v2 =	vunpack.i.u.bf16.f32 v2;
	[tilespmem:s18+$0xFFFFFFE0] =	vst v3  }
0x1da: {  	[tilespmem:s18+$0xFFFFFFF0] =	vst v2  }
0x1db: {  	v2 =	vld.idx.msk [tilespmem:v4+s13+$0x0], $0xffff  }
0x1dc: {  	v3 =	vld [tilespmem:s12+$0x0];
	_ =	sdelay $0x3  }
0x1dd: {  	v2 =	vpack.i.f32.bf16 v2, v2  }
0x1de: {  	v3 =	vmul.bf16 v3, v2;
	_ =	sdelay $0x1  }
0x1df: {  	v4 =	vunpack.i.l.bf16.f32 v3  }
0x1e0: {  	v3 =	vunpack.i.u.bf16.f32 v3;
	[tilespmem:s18+$0x0] =	vst v4  }
0x1e1: {  	s24 =	simm.s32 $0x5;
	[tilespmem:s18+$0x10] =	vst v3  }
0x1e2: {  	v4 =	vmov s24;
	v3 =	vld [tilespmem:s12+$0x10]  }
0x1e3: {  	v4 =	vshrl.u32 v4, $0x3  }
0x1e4: {  	v4 =	vshll.u32 v4, v1  }
0x1e5: {  	v4 =	vadd.s32 $0x5, v4  }
0x1e6: {  	v4 =	vbroadcast v4, $0x0  }
0x1e7: {  	v2 =	vmul.bf16 v3, v2;
	_ =	sdelay $0x1  }
0x1e8: {  	v3 =	vunpack.i.l.bf16.f32 v2  }
0x1e9: {  	v2 =	vunpack.i.u.bf16.f32 v2;
	[tilespmem:s18+$0x20] =	vst v3  }
0x1ea: {  	[tilespmem:s18+$0x30] =	vst v2  }
0x1eb: {  	v2 =	vld.idx.msk [tilespmem:v4+s13+$0x0], $0xffff  }
0x1ec: {  	v3 =	vld [tilespmem:s12+$0x20];
	_ =	sdelay $0x3  }
0x1ed: {  	v2 =	vpack.i.f32.bf16 v2, v2  }
0x1ee: {  	v3 =	vmul.bf16 v3, v2;
	_ =	sdelay $0x1  }
0x1ef: {  	v4 =	vunpack.i.l.bf16.f32 v3  }
0x1f0: {  	v3 =	vunpack.i.u.bf16.f32 v3;
	[tilespmem:s18+$0x40] =	vst v4  }
0x1f1: {  	s25 =	simm.s32 $0x6;
	[tilespmem:s18+$0x50] =	vst v3  }
0x1f2: {  	v4 =	vmov s25;
	v3 =	vld [tilespmem:s12+$0x30]  }
0x1f3: {  	v4 =	vshrl.u32 v4, $0x3  }
0x1f4: {  	v4 =	vshll.u32 v4, v1  }
0x1f5: {  	v4 =	vadd.s32 $0x6, v4  }
0x1f6: {  	v4 =	vbroadcast v4, $0x0  }
0x1f7: {  	v2 =	vmul.bf16 v3, v2;
	_ =	sdelay $0x1  }
0x1f8: {  	v3 =	vunpack.i.l.bf16.f32 v2  }
0x1f9: {  	v2 =	vunpack.i.u.bf16.f32 v2;
	[tilespmem:s18+$0x60] =	vst v3  }
0x1fa: {  	[tilespmem:s18+$0x70] =	vst v2  }
0x1fb: {  	v2 =	vld.idx.msk [tilespmem:v4+s13+$0x0], $0xffff  }
0x1fc: {  	v3 =	vld [tilespmem:s12+$0x40];
	_ =	sdelay $0x3  }
0x1fd: {  	v2 =	vpack.i.f32.bf16 v2, v2  }
0x1fe: {  	v3 =	vmul.bf16 v3, v2;
	_ =	sdelay $0x1  }
0x1ff: {  	v4 =	vunpack.i.l.bf16.f32 v3  }
0x200: {  	v3 =	vunpack.i.u.bf16.f32 v3;
	[tilespmem:s18+$0x80] =	vst v4  }
0x201: {  	s30 =	simm.s32 $0x7;
	[tilespmem:s18+$0x90] =	vst v3  }
0x202: {  	v4 =	vmov s30;
	v3 =	vld [tilespmem:s12+$0x50]  }
0x203: {  	v4 =	vshrl.u32 v4, $0x3  }
0x204: {  	v4 =	vshll.u32 v4, v1  }
0x205: {  	v4 =	vadd.s32 $0x7, v4  }
0x206: {  	v4 =	vbroadcast v4, $0x0  }
0x207: {  	v2 =	vmul.bf16 v3, v2;
	_ =	sdelay $0x1  }
0x208: {  	v3 =	vunpack.i.l.bf16.f32 v2  }
0x209: {  	v2 =	vunpack.i.u.bf16.f32 v2;
	[tilespmem:s18+$0xA0] =	vst v3  }
0x20a: {  	[tilespmem:s18+$0xB0] =	vst v2  }
0x20b: {  	v3 =	vld.idx.msk [tilespmem:v4+s13+$0x0], $0xffff  }
0x20c: {  	s10 =	simm.s32 $0x4400;
	s23 =	simm.s32 $0x1380;
	s24 =	simm.s32 $0x8;
	v2 =	vld [tilespmem:s12+$0x60]  }
.LBB2_7:
0x20d: {  	_ =	sdelay $0x1  }
0x20e: {  	p2 =	slt.u32 s24, $0x78;
	s12 =	sadd.s32 $0x100, s12;
	s18 =	sadd.s32 $0x200, s18  }
0x20f: {  	s15 =	smov.u32 s24;
	s24 =	sadd.s32 $0x8, s24;
	v3 =	vpack.i.f32.bf16 v3, v3  }
0x210: {  	v2 =	vmul.bf16 v2, v3;
	_ =	sdelay $0x1  }
0x211: {  	v4 =	vunpack.i.u.bf16.f32 v2;
	v2 =	vunpack.i.l.bf16.f32 v2  }
0x212: {  	[tilespmem:s10+$0xC0] =	vst v2  }
0x213: {  	[tilespmem:s10+$0xD0] =	vst v4  }
0x214: {  	v2 =	vld [tilespmem:s23+$0x70];
	s23 =	smov.u32 s12  }
0x215: {  	v4 =	vmov s15  }
0x216: {  	v4 =	vshrl.u32 v4, $0x3  }
0x217: {  	v4 =	vshll.u32 v4, v1  }
0x218: {  	v4 =	vbroadcast v4, $0x0  }
0x219: {  	v2 =	vmul.bf16 v2, v3;
	_ =	sdelay $0x1  }
0x21a: {  	v3 =	vunpack.i.u.bf16.f32 v2;
	v2 =	vunpack.i.l.bf16.f32 v2  }
0x21b: {  	[tilespmem:s10+$0xE0] =	vst v2  }
0x21c: {  	[tilespmem:s10+$0xF0] =	vst v3;
	s10 =	smov.u32 s18  }
0x21d: {  	v2 =	vld.idx.msk [tilespmem:v4+s13+$0x0], $0xffff;
	_ =	sdelay $0x1  }
0x21e: {  	v3 =	vld [tilespmem:s12+$0xFFFFFF80];
	_ =	sdelay $0x3  }
0x21f: {  	v2 =	vpack.i.f32.bf16 v2, v2  }
0x220: {  	v3 =	vmul.bf16 v3, v2;
	_ =	sdelay $0x1  }
0x221: {  	v4 =	vunpack.i.u.bf16.f32 v3;
	v3 =	vunpack.i.l.bf16.f32 v3  }
0x222: {  	[tilespmem:s18+$0xFFFFFF00] =	vst v3  }
0x223: {  	s22 =	sadd.s32 $0x1, s15;
	[tilespmem:s18+$0xFFFFFF10] =	vst v4  }
0x224: {  	v4 =	vmov s22;
	v3 =	vld [tilespmem:s12+$0xFFFFFF90]  }
0x225: {  	v4 =	vshrl.u32 v4, $0x3  }
0x226: {  	v4 =	vshll.u32 v4, v1  }
0x227: {  	v4 =	vadd.s32 $0x1, v4  }
0x228: {  	v4 =	vbroadcast v4, $0x0  }
0x229: {  	v2 =	vmul.bf16 v3, v2;
	_ =	sdelay $0x1  }
0x22a: {  	v3 =	vunpack.i.u.bf16.f32 v2;
	v2 =	vunpack.i.l.bf16.f32 v2  }
0x22b: {  	[tilespmem:s18+$0xFFFFFF20] =	vst v2  }
0x22c: {  	[tilespmem:s18+$0xFFFFFF30] =	vst v3  }
0x22d: {  	v2 =	vld.idx.msk [tilespmem:v4+s13+$0x0], $0xffff;
	_ =	sdelay $0x1  }
0x22e: {  	v3 =	vld [tilespmem:s12+$0xFFFFFFA0];
	_ =	sdelay $0x3  }
0x22f: {  	v2 =	vpack.i.f32.bf16 v2, v2  }
0x230: {  	v3 =	vmul.bf16 v3, v2;
	_ =	sdelay $0x1  }
0x231: {  	v4 =	vunpack.i.u.bf16.f32 v3;
	v3 =	vunpack.i.l.bf16.f32 v3  }
0x232: {  	[tilespmem:s18+$0xFFFFFF40] =	vst v3  }
0x233: {  	s22 =	sadd.s32 $0x2, s15;
	[tilespmem:s18+$0xFFFFFF50] =	vst v4  }
0x234: {  	v4 =	vmov s22;
	v3 =	vld [tilespmem:s12+$0xFFFFFFB0]  }
0x235: {  	v4 =	vshrl.u32 v4, $0x3  }
0x236: {  	v4 =	vshll.u32 v4, v1  }
0x237: {  	v4 =	vadd.s32 $0x2, v4  }
0x238: {  	v4 =	vbroadcast v4, $0x0  }
0x239: {  	v2 =	vmul.bf16 v3, v2;
	_ =	sdelay $0x1  }
0x23a: {  	v3 =	vunpack.i.u.bf16.f32 v2;
	v2 =	vunpack.i.l.bf16.f32 v2  }
0x23b: {  	[tilespmem:s18+$0xFFFFFF60] =	vst v2  }
0x23c: {  	[tilespmem:s18+$0xFFFFFF70] =	vst v3  }
0x23d: {  	v2 =	vld.idx.msk [tilespmem:v4+s13+$0x0], $0xffff;
	_ =	sdelay $0x1  }
0x23e: {  	v3 =	vld [tilespmem:s12+$0xFFFFFFC0];
	_ =	sdelay $0x3  }
0x23f: {  	v2 =	vpack.i.f32.bf16 v2, v2  }
0x240: {  	v3 =	vmul.bf16 v3, v2;
	_ =	sdelay $0x1  }
0x241: {  	v4 =	vunpack.i.u.bf16.f32 v3;
	v3 =	vunpack.i.l.bf16.f32 v3  }
0x242: {  	[tilespmem:s18+$0xFFFFFF80] =	vst v3  }
0x243: {  	s22 =	sadd.s32 $0x3, s15;
	[tilespmem:s18+$0xFFFFFF90] =	vst v4  }
0x244: {  	v4 =	vmov s22;
	v3 =	vld [tilespmem:s12+$0xFFFFFFD0]  }
0x245: {  	v4 =	vshrl.u32 v4, $0x3  }
0x246: {  	v4 =	vshll.u32 v4, v1  }
0x247: {  	v4 =	vadd.s32 $0x3, v4  }
0x248: {  	v4 =	vbroadcast v4, $0x0  }
0x249: {  	v2 =	vmul.bf16 v3, v2;
	_ =	sdelay $0x1  }
0x24a: {  	v3 =	vunpack.i.u.bf16.f32 v2;
	v2 =	vunpack.i.l.bf16.f32 v2  }
0x24b: {  	[tilespmem:s18+$0xFFFFFFA0] =	vst v2  }
0x24c: {  	[tilespmem:s18+$0xFFFFFFB0] =	vst v3  }
0x24d: {  	v2 =	vld.idx.msk [tilespmem:v4+s13+$0x0], $0xffff;
	_ =	sdelay $0x1  }
0x24e: {  	v3 =	vld [tilespmem:s12+$0xFFFFFFE0];
	_ =	sdelay $0x3  }
0x24f: {  	v2 =	vpack.i.f32.bf16 v2, v2  }
0x250: {  	v3 =	vmul.bf16 v3, v2;
	_ =	sdelay $0x1  }
0x251: {  	v4 =	vunpack.i.u.bf16.f32 v3;
	v3 =	vunpack.i.l.bf16.f32 v3  }
0x252: {  	[tilespmem:s18+$0xFFFFFFC0] =	vst v3  }
0x253: {  	s22 =	sadd.s32 $0x4, s15;
	[tilespmem:s18+$0xFFFFFFD0] =	vst v4  }
0x254: {  	v4 =	vmov s22;
	v3 =	vld [tilespmem:s12+$0xFFFFFFF0]  }
0x255: {  	v4 =	vshrl.u32 v4, $0x3  }
0x256: {  	v4 =	vshll.u32 v4, v1  }
0x257: {  	v4 =	vadd.s32 $0x4, v4  }
0x258: {  	v4 =	vbroadcast v4, $0x0  }
0x259: {  	v2 =	vmul.bf16 v3, v2;
	_ =	sdelay $0x1  }
0x25a: {  	v3 =	vunpack.i.u.bf16.f32 v2;
	v2 =	vunpack.i.l.bf16.f32 v2  }
0x25b: {  	[tilespmem:s18+$0xFFFFFFE0] =	vst v2  }
0x25c: {  	[tilespmem:s18+$0xFFFFFFF0] =	vst v3  }
0x25d: {  	v2 =	vld.idx.msk [tilespmem:v4+s13+$0x0], $0xffff;
	_ =	sdelay $0x1  }
0x25e: {  	v3 =	vld [tilespmem:s12+$0x0];
	_ =	sdelay $0x3  }
0x25f: {  	v2 =	vpack.i.f32.bf16 v2, v2  }
0x260: {  	v3 =	vmul.bf16 v3, v2;
	_ =	sdelay $0x1  }
0x261: {  	v4 =	vunpack.i.u.bf16.f32 v3;
	v3 =	vunpack.i.l.bf16.f32 v3  }
0x262: {  	[tilespmem:s18+$0x0] =	vst v3  }
0x263: {  	s22 =	sadd.s32 $0x5, s15;
	[tilespmem:s18+$0x10] =	vst v4  }
0x264: {  	v4 =	vmov s22;
	v3 =	vld [tilespmem:s12+$0x10]  }
0x265: {  	v4 =	vshrl.u32 v4, $0x3  }
0x266: {  	v4 =	vshll.u32 v4, v1  }
0x267: {  	v4 =	vadd.s32 $0x5, v4  }
0x268: {  	v4 =	vbroadcast v4, $0x0  }
0x269: {  	v2 =	vmul.bf16 v3, v2;
	_ =	sdelay $0x1  }
0x26a: {  	v3 =	vunpack.i.u.bf16.f32 v2;
	v2 =	vunpack.i.l.bf16.f32 v2  }
0x26b: {  	[tilespmem:s18+$0x20] =	vst v2  }
0x26c: {  	[tilespmem:s18+$0x30] =	vst v3  }
0x26d: {  	v2 =	vld.idx.msk [tilespmem:v4+s13+$0x0], $0xffff  }
0x26e: {  	v3 =	vld [tilespmem:s12+$0x20];
	_ =	sdelay $0x4  }
0x26f: {  	v2 =	vpack.i.f32.bf16 v2, v2  }
0x270: {  	v3 =	vmul.bf16 v3, v2;
	_ =	sdelay $0x1  }
0x271: {  	v4 =	vunpack.i.u.bf16.f32 v3;
	v3 =	vunpack.i.l.bf16.f32 v3  }
0x272: {  	[tilespmem:s18+$0x40] =	vst v3  }
0x273: {  	s22 =	sadd.s32 $0x6, s15;
	[tilespmem:s18+$0x50] =	vst v4  }
0x274: {  	v4 =	vmov s22;
	v3 =	vld [tilespmem:s12+$0x30]  }
0x275: {  	v4 =	vshrl.u32 v4, $0x3  }
0x276: {  	v4 =	vshll.u32 v4, v1  }
0x277: {  	v4 =	vadd.s32 $0x6, v4  }
0x278: {  	v4 =	vbroadcast v4, $0x0  }
0x279: {  	v2 =	vmul.bf16 v3, v2;
	_ =	sdelay $0x1  }
0x27a: {  	v3 =	vunpack.i.u.bf16.f32 v2;
	v2 =	vunpack.i.l.bf16.f32 v2  }
0x27b: {  	[tilespmem:s18+$0x60] =	vst v2  }
0x27c: {  	[tilespmem:s18+$0x70] =	vst v3  }
0x27d: {  	v2 =	vld.idx.msk [tilespmem:v4+s13+$0x0], $0xffff  }
0x27e: {  	v3 =	vld [tilespmem:s12+$0x40];
	_ =	sdelay $0x4  }
0x27f: {  	v2 =	vpack.i.f32.bf16 v2, v2  }
0x280: {  	v3 =	vmul.bf16 v3, v2;
	_ =	sdelay $0x1  }
0x281: {  	v4 =	vunpack.i.u.bf16.f32 v3;
	v3 =	vunpack.i.l.bf16.f32 v3  }
0x282: {  	[tilespmem:s18+$0x80] =	vst v3  }
0x283: {  	s15 =	sadd.s32 $0x7, s15;
	[tilespmem:s18+$0x90] =	vst v4  }
0x284: {  	v4 =	vmov s15;
	v3 =	vld [tilespmem:s12+$0x50]  }
0x285: {  	v4 =	vshrl.u32 v4, $0x3  }
0x286: {  	v4 =	vshll.u32 v4, v1  }
0x287: {  	v4 =	vadd.s32 $0x7, v4  }
0x288: {  	v4 =	vbroadcast v4, $0x0  }
0x289: {  	v2 =	vmul.bf16 v3, v2;
	_ =	sdelay $0x1  }
.Ltmp4:
0x28a: {  	v3 =	vunpack.i.u.bf16.f32 v2;
	v2 =	vunpack.i.l.bf16.f32 v2;
	(pc) =	sbr.rel @p2 .LBB2_7-.Ltmp4, $4  }
0x28b: {  	[tilespmem:s18+$0xA0] =	vst v2  }
0x28c: {  	[tilespmem:s18+$0xB0] =	vst v3  }
0x28d: {  	v3 =	vld.idx.msk [tilespmem:v4+s13+$0x0], $0xffff  }
0x28e: {  	v2 =	vld [tilespmem:s12+$0x60]  }
0x28f: {  	_ =	sdelay $0x2  }
0x290: {  	v3 =	vpack.i.f32.bf16 v3, v3  }
0x291: {  	v2 =	vmul.bf16 v2, v3;
	_ =	sdelay $0x1  }
0x292: {  	v4 =	vunpack.i.l.bf16.f32 v2  }
0x293: {  	v2 =	vunpack.i.u.bf16.f32 v2;
	[tilespmem:s10+$0xC0] =	vst v4  }
0x294: {  	[tilespmem:s10+$0xD0] =	vst v2  }
0x295: {  	v2 =	vld [tilespmem:s23+$0x70];
	_ =	sdelay $0x4  }
0x296: {  	v2 =	vmul.bf16 v2, v3  }
.Ltmp5:
0x297: {  	_ = 	snop;
	(pc) =	sbr.rel @p1 .LBB2_10-.Ltmp5, $4  }
0x298: {  	v3 =	vunpack.i.l.bf16.f32 v2  }
0x299: {  	v2 =	vunpack.i.u.bf16.f32 v2;
	[tilespmem:s10+$0xE0] =	vst v3  }
0x29a: {  	s30 =	simm.s32 $0x4300;
	[tilespmem:s10+$0xF0] =	vst v2  }
0x29b: {  	[spmem:s4] =	stream.indirect.scatter.add.f32 [tilespmem:s30], [sflag:$0x7], $0x40, s14, s2, $0xb8;
	[tilespmem:$0x14F20] =	vst v63  }
0x29c: {  	s10 =	sshll.u32 s29, $0x7  }
0x29d: {  	s10 =	sadd.s32 s6, s10  }
0x29e: {  	s10 =	sshrl.u32 s10, $0x3  }
0x29f: {  	s29 =	sadd.s32 s17, s29;
	s10 =	sadd.s32 s8, s10  }
0x2a0: {  	[tilespmem:s13], [sflag:$0x5] =	stream.linear.gather [hbm4b:s10+s5], $0x80, $0x38;
	[tilespmem:$0x14F20] =	vst v63  }
0x2a1: {  	s10 =	sshll.u32 s29, $0x4  }
0x2a2: {  	s10 =	sadd.s32 s0, s10  }
0x2a3: {  	[tilespmem:s14], [sflag:$0x5] =	stream.linear.gather [hbm4b:s10+s5], $0x80, $0x38;
	[tilespmem:$0x14F20] =	vst v63  }
.Ltmp6:
0x2a4: {  	_ = 	snop;
	(pc) =	sbr.rel .LBB2_4-.Ltmp6, $4  }
0x2a5: {  	_ =	swait.ge [sflag:s1], $0x80  }
0x2a6: {  	[sflag:s1] =	ssyncset.done $0x0  }
0x2a7: {  	s30 =	simm.s32 $0x1300;
	s28 =	sadd.s32 $0x1, s28;
	[sflag:s1] =	ssyncadd.s32 $0xFFFFFF80  }
0x2a8: {  	[tilespmem:s30], [sflag:$0x2] =	stream.indirect.gather [spmem:s3], $0x20, s2, s2, $0xb8;
	[tilespmem:$0x14F20] =	vst v63  }
.LBB2_11:
0x2a9: {  	_ =	sfence.sel $0x180000  }
0x2aa: {  	[bflag:$0x0] =	sbarrier.arrive $0xFFFF  }
0x2ab: {  	_ =	strace $0x90000047  }
0x2ac: {  	s0 =	stileid.u32;
	[bflag:$0x2] =	sbarrier.arrive $0xFFFF  }
0x2ad: {  	p0 =	sne.s32 s0, $0x0;
	s0 =	rddreg [dreg:$0x4]  }
0x2ae: {  	s0 =	sadd.s32 @!p0 $0x100000, s0  }
0x2af: {  	[sflag:s0] =	ssyncadd.tile.s32 @!p0 $0x1;
	_ =	shalt  }
.Lfunc_end2:
_tile_overlayer_lowered:
.L_overlay_start_2:
0x2b0: {  	(tag) =	ssettag $0x2  }
0x2b1: {  	s0 =	rddreg [dreg:$0x0];
	s2 =	stileid.u32  }
0x2b2: {  	s1 =	rddreg [dreg:$0x1];
	p0 =	sne.s32 s2, $0x0  }
0x2b3: {  	s3 =	rddreg [dreg:$0x2];
	[bflag:$0x3] =	sbarrier.arrive $0xFFFF;
	s2 =	simm.s32 @!p0 $0x1C08  }
0x2b4: {  	[timem:s3], [sflag:s2] =	dma.local @!p0 [hbm:s0], s1  }
0x2b5: {  	s0 =	simm.s32 @!p0 $0x8  }
0x2b6: {  	_ =	swait.ge @!p0 [sflag:s0], s1  }
0x2b7: {  	s1 =	ssub.s32 @!p0 $0x0, s1;
	[sflag:s0] =	ssyncset.done @!p0 $0x0  }
0x2b8: {  	[sflag:s0] =	ssyncadd.s32 @!p0 s1  }
0x2b9: {  	[bflag:$0x3] =	sbarrier.arrive $0xFFFF  }
0x2ba: {  	_ =	shalt  }

</sc_bundles>
